<compile_context>
chip_gen: v7x
topology: tpu7x:2x2x1
jax: 0.10.2.dev20260603
libtpu: 0.0.44.dev20260713+nightly
codegen_flags: <defaults>
</compile_context>

<pallas_src>
import functools

import jax
import jax.numpy as jnp
from jax import lax
from jax.experimental import pallas as pl
from jax.experimental.pallas import tpu as pltpu
from jax.experimental.pallas import tpu_sc as plsc

_N, _F, _H, _C, _E = 10000, 128, 16, 16, 320000
_NPAD = 10240
_K = 128
_NSC, _NTILE = 2, 16
_NCHMAX = 79
_RPT = _NPAD // _NTILE
_NBUF = 12
_LP = 128 // _H
_NP = _N // _LP
_NPP = _NPAD // _LP


def _tc_pre(x_r, w1, w2, bl_p):
    def body(x_ref, w1_ref, w2_ref, bl_ref, y_ref, z_ref):
        xv = x_ref[...]
        y_ref[...] = jnp.dot(xv, w1_ref[...], preferred_element_type=jnp.float32)
        z_ref[...] = (
            jnp.dot(xv, w2_ref[...], preferred_element_type=jnp.float32)
            + bl_ref[...]
        )

    return pl.pallas_call(
        body,
        out_shape=[
            jax.ShapeDtypeStruct((_NP, 128), jnp.float32),
            jax.ShapeDtypeStruct((_NP, 128), jnp.float32),
        ],
    )(x_r, w1, w2, bl_p)


def _sc_agg(y, edge_index):
    mesh = plsc.VectorSubcoreMesh(core_axis_name="c", subcore_axis_name="s")

    @functools.partial(
        pl.kernel,
        out_type=[
            jax.ShapeDtypeStruct((_NSC, _NPAD, _H), jnp.float32),
            jax.ShapeDtypeStruct((_NSC, _NPAD, _H), jnp.float32),
        ],
        mesh=mesh,
        compiler_params=pltpu.CompilerParams(use_tc_tiling_on_sc=False),
        scratch_types=[
            pltpu.VMEM_SHARED((_NPAD, _H), jnp.float32),
            pltpu.VMEM_SHARED((_NPAD, _H), jnp.float32),
            pltpu.VMEM((_NCHMAX * _K,), jnp.int32),
            pltpu.VMEM((_NCHMAX * _K,), jnp.int32),
            pltpu.VMEM((_NBUF, _K, _H), jnp.float32),
            pltpu.VMEM((_K, _H), jnp.float32),
            pltpu.SemaphoreType.DMA,
            pltpu.SemaphoreType.DMA((_NBUF,)),
            pltpu.SemaphoreType.DMA((_NBUF,)),
            pltpu.SemaphoreType.DMA,
        ],
    )
    def k(y_hbm, ei_hbm, acc_out, deg_out,
          acc_sh, deg_sh, srcv, dstv, rows, onev,
          semi, semg, sems, semd):
        cid = lax.axis_index("c")
        sid = lax.axis_index("s")
        wid = cid * _NTILE + sid

        nch = jnp.where(wid < 4, _NCHMAX, _NCHMAX - 1)
        base_chunk = jnp.where(
            wid < 4, _NCHMAX * wid, 4 * _NCHMAX + (_NCHMAX - 1) * (wid - 4))
        base = base_chunk * _K
        nmin = (_NCHMAX - 1) * _K

        cp_s = pltpu.async_copy(
            ei_hbm.at[0, pl.ds(base, nmin)], srcv.at[pl.ds(0, nmin)], semi)
        cp_d = pltpu.async_copy(
            ei_hbm.at[1, pl.ds(base, nmin)], dstv.at[pl.ds(0, nmin)], semi)

        def fill_rows(i, _):
            rows[0, i] = jnp.zeros((_H,), jnp.float32)
            onev[i] = jnp.ones((_H,), jnp.float32)
            return 0

        lax.fori_loop(0, _K, fill_rows, 0)

        def zero_stripe(i, _):
            off = sid * _RPT + i * _K
            pltpu.sync_copy(rows.at[0], acc_sh.at[pl.ds(off, _K)])
            pltpu.sync_copy(rows.at[0], deg_sh.at[pl.ds(off, _K)])
            return 0

        lax.fori_loop(0, _RPT // _K, zero_stripe, 0)

        @pl.when(wid < 4)
        def _():
            pltpu.sync_copy(ei_hbm.at[0, pl.ds(base + nmin, _K)],
                            srcv.at[pl.ds(nmin, _K)])
            pltpu.sync_copy(ei_hbm.at[1, pl.ds(base + nmin, _K)],
                            dstv.at[pl.ds(nmin, _K)])

        cp_s.wait()
        cp_d.wait()
        plsc.subcore_barrier()

        half = _NBUF // 2

        def gather(j, b):
            sidx = srcv.at[pl.ds(j * _K, _K)]
            pltpu.async_copy(y_hbm.at[sidx], rows.at[b], semg.at[b])

        for b in range(half):
            gather(b, b)

        def step(j, _):
            b = lax.rem(j, _NBUF)
            bp = lax.rem(j + half, _NBUF)
            sidx = srcv.at[pl.ds(j * _K, _K)]
            pltpu.make_async_copy(y_hbm.at[sidx], rows.at[b], semg.at[b]).wait()
            dvi = dstv.at[pl.ds(j * _K, _K)]
            pltpu.async_copy(rows.at[b], acc_sh.at[dvi], sems.at[b], add=True)
            pltpu.async_copy(onev, deg_sh.at[dvi], semd, add=True)

            @pl.when(j >= half)
            def _():
                pltpu.make_async_copy(onev, deg_sh.at[dvi], semd).wait()

            @pl.when((j >= half) & (j + half < nch))
            def _():
                pltpu.make_async_copy(
                    rows.at[bp], acc_sh.at[dvi], sems.at[bp]).wait()

            @pl.when(j + half < nch)
            def _():
                gather(j + half, bp)

            return 0

        lax.fori_loop(0, nch, step, 0)

        dv0 = dstv.at[pl.ds(0, _K)]
        for b in range(half):
            pltpu.make_async_copy(onev, deg_sh.at[dv0], semd).wait()
        for b in range(_NBUF):
            pltpu.make_async_copy(rows.at[b], acc_sh.at[dv0], sems.at[b]).wait()
        plsc.subcore_barrier()

        off = sid * _RPT
        pltpu.sync_copy(acc_sh.at[pl.ds(off, _RPT)],
                        acc_out.at[cid, pl.ds(off, _RPT)])
        pltpu.sync_copy(deg_sh.at[pl.ds(off, _RPT)],
                        deg_out.at[cid, pl.ds(off, _RPT)])

    return k(y, edge_index)


def _tc_post(acc, deg, z, w3, bfc_p):
    def body(acc_ref, deg_ref, z_ref, w_ref, b_ref, out_ref):
        a = acc_ref[0] + acc_ref[1]
        d = deg_ref[0] + deg_ref[1]
        h = jnp.maximum(a[:_NP] / jnp.maximum(d[:_NP], 1.0) + z_ref[...], 0.0)
        out_ref[...] = (
            jnp.dot(h, w_ref[...], preferred_element_type=jnp.float32)
            + b_ref[...]
        )

    return pl.pallas_call(
        body,
        out_shape=jax.ShapeDtypeStruct((_NP, 128), jnp.float32),
    )(acc, deg, z, w3, bfc_p)


def kernel(x, edge_index, W_l, b_l, W_r, W_fc, b_fc):
    eye = jnp.eye(_LP, dtype=jnp.float32)
    w1 = jnp.kron(eye, W_l.T)
    w2 = jnp.kron(eye, W_r.T)
    w3 = jnp.kron(eye, W_fc.T)
    bl_p = jnp.tile(b_l, _LP).reshape(1, 128)
    bfc_p = jnp.tile(b_fc, _LP).reshape(1, 128)
    x_r = x.reshape(_NP, _LP * _F)
    y_p, z_p = _tc_pre(x_r, w1, w2, bl_p)
    acc, deg = _sc_agg(y_p.reshape(_N, _H), edge_index)
    out_p = _tc_post(acc.reshape(_NSC, _NPP, 128),
                     deg.reshape(_NSC, _NPP, 128), z_p, w3, bfc_p)
    return out_p.reshape(_N, _C)

# --- scband reference (transcript-rebuilt; emitter-appended) ---
"""Pipeline reference for scband-sage-mlc-32478542692724 (READ-ONLY COPY).

The authoritative reference and input builder live on the scoring server;
editing this copy changes nothing except your own understanding.
"""

import jax, jax.numpy as jnp
import numpy as np

N, F, H, C, E = 10000, 128, 16, 16, 320000


def setup_inputs(seed: int = 0) -> dict:
    key = jax.random.key(seed)
    ks = jax.random.split(key, 8)
    x = jax.random.normal(ks[0], (N, F), dtype=jnp.float32)
    edge_index = jax.random.randint(ks[1], (2, E), 0, N, dtype=jnp.int32)
    s1 = 1.0 / np.sqrt(F)
    s2 = 1.0 / np.sqrt(H)
    # SAGEConv params: lin_l (applied to aggregated neighbors, has bias), lin_r (applied to root, no bias)
    W_l = jax.random.uniform(ks[2], (H, F), minval=-s1, maxval=s1, dtype=jnp.float32)
    b_l = jax.random.uniform(ks[3], (H,), minval=-s1, maxval=s1, dtype=jnp.float32)
    W_r = jax.random.uniform(ks[4], (H, F), minval=-s1, maxval=s1, dtype=jnp.float32)
    # fc: Linear(hidden_channels, num_classes)
    W_fc = jax.random.uniform(ks[5], (C, H), minval=-s2, maxval=s2, dtype=jnp.float32)
    b_fc = jax.random.uniform(ks[6], (C,), minval=-s2, maxval=s2, dtype=jnp.float32)
    return {"x": x, "edge_index": edge_index, "W_l": W_l, "b_l": b_l, "W_r": W_r, "W_fc": W_fc, "b_fc": b_fc}


def reference(x, edge_index, W_l, b_l, W_r, W_fc, b_fc):
    src = edge_index[0]
    dst = edge_index[1]
    n = x.shape[0]
    # SAGEConv with mean aggregation: gather neighbor features, scatter-mean by dst
    msg = jnp.take(x, src, axis=0)
    agg = jax.ops.segment_sum(msg, dst, num_segments=n)
    deg = jax.ops.segment_sum(jnp.ones((src.shape[0],), dtype=x.dtype), dst, num_segments=n)
    agg = agg / jnp.maximum(deg, 1.0)[:, None]
    h = agg @ W_l.T + b_l + x @ W_r.T
    h = jax.nn.relu(h)
    out = h @ W_fc.T + b_fc
    return out

if __name__ == "__main__":
    import jax
    _d = setup_inputs()
    print(jax.jit(kernel)(*tuple(_d.values())))

</pallas_src>

<mosaic_0001>
#map = affine_map<(d0, d1) -> (0, 0)>
#map1 = affine_map<(d0, d1) -> (0, 0, 0)>
module attributes {stable_mosaic.version = 14 : i64} {
  func.func @k(%arg0: i32, %arg1: i32, %arg2: memref<10000x16xf32, #tpu.memory_space<hbm>>, %arg3: memref<2x320000xi32, #tpu.memory_space<hbm>>, %arg4: memref<2x10240x16xf32, #tpu.memory_space<hbm>>, %arg5: memref<2x10240x16xf32, #tpu.memory_space<hbm>>, %arg6: memref<10240x16xf32, #tpu.memory_space<vmem_shared>>, %arg7: memref<10240x16xf32, #tpu.memory_space<vmem_shared>>, %arg8: memref<10112xi32, #tpu.memory_space<vmem>>, %arg9: memref<10112xi32, #tpu.memory_space<vmem>>, %arg10: memref<12x128x16xf32, #tpu.memory_space<vmem>>, %arg11: memref<128x16xf32, #tpu.memory_space<vmem>>, %arg12: memref<!tpu.dma_semaphore, #tpu.memory_space<semaphore_mem>>, %arg13: memref<12x!tpu.dma_semaphore, #tpu.memory_space<semaphore_mem>>, %arg14: memref<12x!tpu.dma_semaphore, #tpu.memory_space<semaphore_mem>>, %arg15: memref<!tpu.dma_semaphore, #tpu.memory_space<semaphore_mem>>) attributes {dimension_semantics = [#tpu.dimension_semantics<core_parallel>, #tpu.dimension_semantics<subcore_parallel>], iteration_bounds = array<i64: 2, 16>, scalar_prefetch = 0 : i64, scratch_operands = 10 : i64, tpu.core_type = #tpu.core_type<sc_vector_subcore>, window_params = [{transform_indices = #map}, {transform_indices = #map}, {transform_indices = #map1}, {transform_indices = #map1}]} {
    %mul3A = arith.constant 16 : i32
    %mul3A_0 = arith.muli %arg0, %mul3A : i32
    %add3A = arith.addi %mul3A_0, %arg1 : i32
    %lt3A = arith.constant 4 : i32
    %lt3A_1 = arith.cmpi slt, %add3A, %lt3A : i32
    %jit3A = arith.constant 79 : i32
    %jit3A_2 = arith.constant 78 : i32
    %select_n3A = arith.select %lt3A_1, %jit3A, %jit3A_2 : i32
    %lt3A_3 = arith.constant 4 : i32
    %lt3A_4 = arith.cmpi slt, %add3A, %lt3A_3 : i32
    %mul3A_5 = arith.constant 79 : i32
    %mul3A_6 = arith.muli %mul3A_5, %add3A : i32
    %sub3A = arith.constant 4 : i32
    %sub3A_7 = arith.subi %add3A, %sub3A : i32
    %mul3A_8 = arith.constant 78 : i32
    %mul3A_9 = arith.muli %mul3A_8, %sub3A_7 : i32
    %add3A_10 = arith.constant 316 : i32
    %add3A_11 = arith.addi %add3A_10, %mul3A_9 : i32
    %select_n3A_12 = arith.select %lt3A_4, %mul3A_6, %add3A_11 : i32
    %mul3A_13 = arith.constant 128 : i32
    %mul3A_14 = arith.muli %select_n3A_12, %mul3A_13 : i32
    %dma_start3A = arith.constant 0 : i32
    %dma_start3A_15 = arith.constant 0 : i32
    %dma_start3A_16 = tpu.memref_slice %arg8[%dma_start3A_15] : memref<10112xi32, #tpu.memory_space<vmem>> -> memref<9984xi32, #tpu.memory_space<vmem>>
    %dma_start3A_17 = tpu.memref_slice %arg3[%dma_start3A, %mul3A_14] : memref<2x320000xi32, #tpu.memory_space<hbm>> -> memref<1x9984xi32, #tpu.memory_space<hbm>>
    %dma_start3A_18 = tpu.memref_squeeze %dma_start3A_17 : memref<1x9984xi32, #tpu.memory_space<hbm>> -> memref<9984xi32, #tpu.memory_space<hbm>>
    %dma_start3A_19 = arith.constant 0 : i32
    %dma_start3A_20 = tpu.memref_slice %arg8[%dma_start3A_19] : memref<10112xi32, #tpu.memory_space<vmem>> -> memref<9984xi32, #tpu.memory_space<vmem>>
    %dma_start3A_21 = tpu.memref_slice %arg3[%dma_start3A, %mul3A_14] : memref<2x320000xi32, #tpu.memory_space<hbm>> -> memref<1x9984xi32, #tpu.memory_space<hbm>>
    %dma_start3A_22 = tpu.memref_squeeze %dma_start3A_21 : memref<1x9984xi32, #tpu.memory_space<hbm>> -> memref<9984xi32, #tpu.memory_space<hbm>>
    tpu.enqueue_dma source(%dma_start3A_22 : memref<9984xi32, #tpu.memory_space<hbm>>) target(%dma_start3A_20 : memref<9984xi32, #tpu.memory_space<vmem>>) target_semaphore(%arg12 : memref<!tpu.dma_semaphore, #tpu.memory_space<semaphore_mem>>)
    %dma_start3A_23 = arith.constant 1 : i32
    %dma_start3A_24 = arith.constant 0 : i32
    %dma_start3A_25 = tpu.memref_slice %arg9[%dma_start3A_24] : memref<10112xi32, #tpu.memory_space<vmem>> -> memref<9984xi32, #tpu.memory_space<vmem>>
    %dma_start3A_26 = tpu.memref_slice %arg3[%dma_start3A_23, %mul3A_14] : memref<2x320000xi32, #tpu.memory_space<hbm>> -> memref<1x9984xi32, #tpu.memory_space<hbm>>
    %dma_start3A_27 = tpu.memref_squeeze %dma_start3A_26 : memref<1x9984xi32, #tpu.memory_space<hbm>> -> memref<9984xi32, #tpu.memory_space<hbm>>
    %dma_start3A_28 = arith.constant 0 : i32
    %dma_start3A_29 = tpu.memref_slice %arg9[%dma_start3A_28] : memref<10112xi32, #tpu.memory_space<vmem>> -> memref<9984xi32, #tpu.memory_space<vmem>>
    %dma_start3A_30 = tpu.memref_slice %arg3[%dma_start3A_23, %mul3A_14] : memref<2x320000xi32, #tpu.memory_space<hbm>> -> memref<1x9984xi32, #tpu.memory_space<hbm>>
    %dma_start3A_31 = tpu.memref_squeeze %dma_start3A_30 : memref<1x9984xi32, #tpu.memory_space<hbm>> -> memref<9984xi32, #tpu.memory_space<hbm>>
    tpu.enqueue_dma source(%dma_start3A_31 : memref<9984xi32, #tpu.memory_space<hbm>>) target(%dma_start3A_29 : memref<9984xi32, #tpu.memory_space<vmem>>) target_semaphore(%arg12 : memref<!tpu.dma_semaphore, #tpu.memory_space<semaphore_mem>>)
    %scan3A = arith.constant 0 : i32
    %scan3A_32 = arith.constant 0 : i32
    %scan3A_33 = arith.constant 128 : i32
    %scan3A_34 = arith.addi %scan3A_32, %scan3A_33 : i32
    %scan3A_35 = arith.constant 1 : i32
    %scan3A_36 = scf.for %scan3A_343 = %scan3A_32 to %scan3A_34 step %scan3A_35 iter_args(%scan3A_344 = %scan3A) -> (i32)  : i32 {
      %broadcast_in_dim3A = arith.constant 0.000000e+00 : f32
      %broadcast_in_dim3A_345 = vector.broadcast %broadcast_in_dim3A : f32 to vector<16xf32>
      %swap3A = arith.constant 0 : i32
      %swap3A_346 = arith.index_cast %swap3A : i32 to index
      %swap3A_347 = arith.index_cast %scan3A_343 : i32 to index
      %swap3A_348 = arith.constant 0 : index
      %swap3A_349 = tpu.vector_load %arg10[%swap3A_346, %swap3A_347, %swap3A_348] {strides = array<i32>} : memref<12x128x16xf32, #tpu.memory_space<vmem>>, vector<1x1x16xf32>,
      %swap3A_350 = vector.shape_cast %swap3A_349 : vector<1x1x16xf32> to vector<16xf32>
      %swap3A_351 = vector.shape_cast %broadcast_in_dim3A_345 : vector<16xf32> to vector<1x1x16xf32>
      tpu.vector_store %arg10[%swap3A_346, %swap3A_347, %swap3A_348], %swap3A_351 {strides = array<i32>} : memref<12x128x16xf32, #tpu.memory_space<vmem>>, vector<1x1x16xf32>,
      %broadcast_in_dim3A_352 = arith.constant 1.000000e+00 : f32
      %broadcast_in_dim3A_353 = vector.broadcast %broadcast_in_dim3A_352 : f32 to vector<16xf32>
      %swap3A_354 = arith.index_cast %scan3A_343 : i32 to index
      %swap3A_355 = arith.constant 0 : index
      %swap3A_356 = tpu.vector_load %arg11[%swap3A_354, %swap3A_355] {strides = array<i32>} : memref<128x16xf32, #tpu.memory_space<vmem>>, vector<1x16xf32>,
      %swap3A_357 = vector.shape_cast %swap3A_356 : vector<1x16xf32> to vector<16xf32>
      %swap3A_358 = vector.shape_cast %broadcast_in_dim3A_353 : vector<16xf32> to vector<1x16xf32>
      tpu.vector_store %arg11[%swap3A_354, %swap3A_355], %swap3A_358 {strides = array<i32>} : memref<128x16xf32, #tpu.memory_space<vmem>>, vector<1x16xf32>,
      %scan3A_359 = arith.constant 0 : i32
      scf.yield %scan3A_359 : i32
    }
    %scan3A_37 = arith.constant 128 : i32
    %scan3A_38 = arith.constant 0 : i32
    %scan3A_39 = arith.constant 0 : i32
    %scan3A_40 = arith.constant 5 : i32
    %scan3A_41 = arith.addi %scan3A_39, %scan3A_40 : i32
    %scan3A_42 = arith.constant 1 : i32
    %scan3A_43 = scf.for %scan3A_343 = %scan3A_39 to %scan3A_41 step %scan3A_42 iter_args(%scan3A_344 = %scan3A_38) -> (i32)  : i32 {
      %mul3A_345 = arith.constant 640 : i32
      %mul3A_346 = arith.muli %arg1, %mul3A_345 : i32
      %mul3A_347 = arith.constant 128 : i32
      %mul3A_348 = arith.muli %scan3A_343, %mul3A_347 : i32
      %add3A_349 = arith.addi %mul3A_346, %mul3A_348 : i32
      %run_scoped3A = arith.constant 0 : i32
      "tpu.region"() ({
        %run_scoped3A_352 = tpu.sem_alloc : memref<!tpu.dma_semaphore, #tpu.memory_space<semaphore_mem>>
        %dma_start3A_353 = arith.constant 0 : i32
        %dma_start3A_354 = arith.constant 0 : i32
        %dma_start3A_355 = tpu.memref_slice %arg10[%run_scoped3A, %dma_start3A_353, %dma_start3A_354] : memref<12x128x16xf32, #tpu.memory_space<vmem>> -> memref<1x128x16xf32, #tpu.memory_space<vmem>>
        %dma_start3A_356 = tpu.memref_squeeze %dma_start3A_355 : memref<1x128x16xf32, #tpu.memory_space<vmem>> -> memref<128x16xf32, #tpu.memory_space<vmem>>
        %dma_start3A_357 = arith.constant 0 : i32
        %dma_start3A_358 = tpu.memref_slice %arg6[%add3A_349, %dma_start3A_357] : memref<10240x16xf32, #tpu.memory_space<vmem_shared>> -> memref<128x16xf32, #tpu.memory_space<vmem_shared>>
        %dma_start3A_359 = arith.constant 0 : i32
        %dma_start3A_360 = tpu.memref_slice %arg6[%add3A_349, %dma_start3A_359] : memref<10240x16xf32, #tpu.memory_space<vmem_shared>> -> memref<128x16xf32, #tpu.memory_space<vmem_shared>>
        %dma_start3A_361 = arith.constant 0 : i32
        %dma_start3A_362 = arith.constant 0 : i32
        %dma_start3A_363 = tpu.memref_slice %arg10[%run_scoped3A, %dma_start3A_361, %dma_start3A_362] : memref<12x128x16xf32, #tpu.memory_space<vmem>> -> memref<1x128x16xf32, #tpu.memory_space<vmem>>
        %dma_start3A_364 = tpu.memref_squeeze %dma_start3A_363 : memref<1x128x16xf32, #tpu.memory_space<vmem>> -> memref<128x16xf32, #tpu.memory_space<vmem>>
        tpu.enqueue_dma source(%dma_start3A_364 : memref<128x16xf32, #tpu.memory_space<vmem>>) target(%dma_start3A_360 : memref<128x16xf32, #tpu.memory_space<vmem_shared>>) target_semaphore(%run_scoped3A_352 : memref<!tpu.dma_semaphore, #tpu.memory_space<semaphore_mem>>)
        %dma_wait3A_365 = arith.constant 0 : i32
        %dma_wait3A_366 = arith.constant 0 : i32
        %dma_wait3A_367 = tpu.memref_slice %arg10[%run_scoped3A, %dma_wait3A_365, %dma_wait3A_366] : memref<12x128x16xf32, #tpu.memory_space<vmem>> -> memref<1x128x16xf32, #tpu.memory_space<vmem>>
        %dma_wait3A_368 = tpu.memref_squeeze %dma_wait3A_367 : memref<1x128x16xf32, #tpu.memory_space<vmem>> -> memref<128x16xf32, #tpu.memory_space<vmem>>
        %dma_wait3A_369 = arith.constant 0 : i32
        %dma_wait3A_370 = tpu.memref_slice %arg6[%add3A_349, %dma_wait3A_369] : memref<10240x16xf32, #tpu.memory_space<vmem_shared>> -> memref<128x16xf32, #tpu.memory_space<vmem_shared>>
        %dma_wait3A_371 = arith.constant 0 : i32
        %dma_wait3A_372 = tpu.memref_slice %arg6[%add3A_349, %dma_wait3A_371] : memref<10240x16xf32, #tpu.memory_space<vmem_shared>> -> memref<128x16xf32, #tpu.memory_space<vmem_shared>>
        %dma_wait3A_373 = arith.constant 0 : i32
        %dma_wait3A_374 = arith.constant 0 : i32
        %dma_wait3A_375 = tpu.memref_slice %arg10[%run_scoped3A, %dma_wait3A_373, %dma_wait3A_374] : memref<12x128x16xf32, #tpu.memory_space<vmem>> -> memref<1x128x16xf32, #tpu.memory_space<vmem>>
        %dma_wait3A_376 = tpu.memref_squeeze %dma_wait3A_375 : memref<1x128x16xf32, #tpu.memory_space<vmem>> -> memref<128x16xf32, #tpu.memory_space<vmem>>
        tpu.wait_dma2 semaphore(%run_scoped3A_352 : memref<!tpu.dma_semaphore, #tpu.memory_space<semaphore_mem>>) src(%dma_wait3A_376 : memref<128x16xf32, #tpu.memory_space<vmem>>) dst(%dma_wait3A_372 : memref<128x16xf32, #tpu.memory_space<vmem_shared>>)
        tpu.yield
      }) : () -> ()
      %run_scoped3A_350 = arith.constant 0 : i32
      "tpu.region"() ({
        %run_scoped3A_352 = tpu.sem_alloc : memref<!tpu.dma_semaphore, #tpu.memory_space<semaphore_mem>>
        %dma_start3A_353 = arith.constant 0 : i32
        %dma_start3A_354 = arith.constant 0 : i32
        %dma_start3A_355 = tpu.memref_slice %arg10[%run_scoped3A_350, %dma_start3A_353, %dma_start3A_354] : memref<12x128x16xf32, #tpu.memory_space<vmem>> -> memref<1x128x16xf32, #tpu.memory_space<vmem>>
        %dma_start3A_356 = tpu.memref_squeeze %dma_start3A_355 : memref<1x128x16xf32, #tpu.memory_space<vmem>> -> memref<128x16xf32, #tpu.memory_space<vmem>>
        %dma_start3A_357 = arith.constant 0 : i32
        %dma_start3A_358 = tpu.memref_slice %arg7[%add3A_349, %dma_start3A_357] : memref<10240x16xf32, #tpu.memory_space<vmem_shared>> -> memref<128x16xf32, #tpu.memory_space<vmem_shared>>
        %dma_start3A_359 = arith.constant 0 : i32
        %dma_start3A_360 = tpu.memref_slice %arg7[%add3A_349, %dma_start3A_359] : memref<10240x16xf32, #tpu.memory_space<vmem_shared>> -> memref<128x16xf32, #tpu.memory_space<vmem_shared>>
        %dma_start3A_361 = arith.constant 0 : i32
        %dma_start3A_362 = arith.constant 0 : i32
        %dma_start3A_363 = tpu.memref_slice %arg10[%run_scoped3A_350, %dma_start3A_361, %dma_start3A_362] : memref<12x128x16xf32, #tpu.memory_space<vmem>> -> memref<1x128x16xf32, #tpu.memory_space<vmem>>
        %dma_start3A_364 = tpu.memref_squeeze %dma_start3A_363 : memref<1x128x16xf32, #tpu.memory_space<vmem>> -> memref<128x16xf32, #tpu.memory_space<vmem>>
        tpu.enqueue_dma source(%dma_start3A_364 : memref<128x16xf32, #tpu.memory_space<vmem>>) target(%dma_start3A_360 : memref<128x16xf32, #tpu.memory_space<vmem_shared>>) target_semaphore(%run_scoped3A_352 : memref<!tpu.dma_semaphore, #tpu.memory_space<semaphore_mem>>)
        %dma_wait3A_365 = arith.constant 0 : i32
        %dma_wait3A_366 = arith.constant 0 : i32
        %dma_wait3A_367 = tpu.memref_slice %arg10[%run_scoped3A_350, %dma_wait3A_365, %dma_wait3A_366] : memref<12x128x16xf32, #tpu.memory_space<vmem>> -> memref<1x128x16xf32, #tpu.memory_space<vmem>>
        %dma_wait3A_368 = tpu.memref_squeeze %dma_wait3A_367 : memref<1x128x16xf32, #tpu.memory_space<vmem>> -> memref<128x16xf32, #tpu.memory_space<vmem>>
        %dma_wait3A_369 = arith.constant 0 : i32
        %dma_wait3A_370 = tpu.memref_slice %arg7[%add3A_349, %dma_wait3A_369] : memref<10240x16xf32, #tpu.memory_space<vmem_shared>> -> memref<128x16xf32, #tpu.memory_space<vmem_shared>>
        %dma_wait3A_371 = arith.constant 0 : i32
        %dma_wait3A_372 = tpu.memref_slice %arg7[%add3A_349, %dma_wait3A_371] : memref<10240x16xf32, #tpu.memory_space<vmem_shared>> -> memref<128x16xf32, #tpu.memory_space<vmem_shared>>
        %dma_wait3A_373 = arith.constant 0 : i32
        %dma_wait3A_374 = arith.constant 0 : i32
        %dma_wait3A_375 = tpu.memref_slice %arg10[%run_scoped3A_350, %dma_wait3A_373, %dma_wait3A_374] : memref<12x128x16xf32, #tpu.memory_space<vmem>> -> memref<1x128x16xf32, #tpu.memory_space<vmem>>
        %dma_wait3A_376 = tpu.memref_squeeze %dma_wait3A_375 : memref<1x128x16xf32, #tpu.memory_space<vmem>> -> memref<128x16xf32, #tpu.memory_space<vmem>>
        tpu.wait_dma2 semaphore(%run_scoped3A_352 : memref<!tpu.dma_semaphore, #tpu.memory_space<semaphore_mem>>) src(%dma_wait3A_376 : memref<128x16xf32, #tpu.memory_space<vmem>>) dst(%dma_wait3A_372 : memref<128x16xf32, #tpu.memory_space<vmem_shared>>)
        tpu.yield
      }) : () -> ()
      %scan3A_351 = arith.constant 0 : i32
      scf.yield %scan3A_351 : i32
    }
    %scan3A_44 = arith.constant 5 : i32
    %lt3A_45 = arith.constant 4 : i32
    %lt3A_46 = arith.cmpi slt, %add3A, %lt3A_45 : i32
    %convert_element_type3A = arith.extui %lt3A_46 : i1 to i32
    %cond3A = arith.constant 0 : i32
    %cond3A_47 = arith.cmpi ne, %convert_element_type3A, %cond3A : i32
    scf.if %cond3A_47 {
      %add3A_343 = arith.constant 9984 : i32
      %add3A_344 = arith.addi %mul3A_14, %add3A_343 : i32
      %run_scoped3A = arith.constant 0 : i32
      "tpu.region"() ({
        %run_scoped3A_348 = tpu.sem_alloc : memref<!tpu.dma_semaphore, #tpu.memory_space<semaphore_mem>>
        %dma_start3A_349 = arith.constant 9984 : i32
        %dma_start3A_350 = tpu.memref_slice %arg8[%dma_start3A_349] : memref<10112xi32, #tpu.memory_space<vmem>> -> memref<128xi32, #tpu.memory_space<vmem>>
        %dma_start3A_351 = tpu.memref_slice %arg3[%run_scoped3A, %add3A_344] : memref<2x320000xi32, #tpu.memory_space<hbm>> -> memref<1x128xi32, #tpu.memory_space<hbm>>
        %dma_start3A_352 = tpu.memref_squeeze %dma_start3A_351 : memref<1x128xi32, #tpu.memory_space<hbm>> -> memref<128xi32, #tpu.memory_space<hbm>>
        %dma_start3A_353 = arith.constant 9984 : i32
        %dma_start3A_354 = tpu.memref_slice %arg8[%dma_start3A_353] : memref<10112xi32, #tpu.memory_space<vmem>> -> memref<128xi32, #tpu.memory_space<vmem>>
        %dma_start3A_355 = tpu.memref_slice %arg3[%run_scoped3A, %add3A_344] : memref<2x320000xi32, #tpu.memory_space<hbm>> -> memref<1x128xi32, #tpu.memory_space<hbm>>
        %dma_start3A_356 = tpu.memref_squeeze %dma_start3A_355 : memref<1x128xi32, #tpu.memory_space<hbm>> -> memref<128xi32, #tpu.memory_space<hbm>>
        tpu.enqueue_dma source(%dma_start3A_356 : memref<128xi32, #tpu.memory_space<hbm>>) target(%dma_start3A_354 : memref<128xi32, #tpu.memory_space<vmem>>) target_semaphore(%run_scoped3A_348 : memref<!tpu.dma_semaphore, #tpu.memory_space<semaphore_mem>>)
        %dma_wait3A_357 = arith.constant 9984 : i32
        %dma_wait3A_358 = tpu.memref_slice %arg8[%dma_wait3A_357] : memref<10112xi32, #tpu.memory_space<vmem>> -> memref<128xi32, #tpu.memory_space<vmem>>
        %dma_wait3A_359 = tpu.memref_slice %arg3[%run_scoped3A, %add3A_344] : memref<2x320000xi32, #tpu.memory_space<hbm>> -> memref<1x128xi32, #tpu.memory_space<hbm>>
        %dma_wait3A_360 = tpu.memref_squeeze %dma_wait3A_359 : memref<1x128xi32, #tpu.memory_space<hbm>> -> memref<128xi32, #tpu.memory_space<hbm>>
        %dma_wait3A_361 = arith.constant 9984 : i32
        %dma_wait3A_362 = tpu.memref_slice %arg8[%dma_wait3A_361] : memref<10112xi32, #tpu.memory_space<vmem>> -> memref<128xi32, #tpu.memory_space<vmem>>
        %dma_wait3A_363 = tpu.memref_slice %arg3[%run_scoped3A, %add3A_344] : memref<2x320000xi32, #tpu.memory_space<hbm>> -> memref<1x128xi32, #tpu.memory_space<hbm>>
        %dma_wait3A_364 = tpu.memref_squeeze %dma_wait3A_363 : memref<1x128xi32, #tpu.memory_space<hbm>> -> memref<128xi32, #tpu.memory_space<hbm>>
        tpu.wait_dma2 semaphore(%run_scoped3A_348 : memref<!tpu.dma_semaphore, #tpu.memory_space<semaphore_mem>>) src(%dma_wait3A_364 : memref<128xi32, #tpu.memory_space<hbm>>) dst(%dma_wait3A_362 : memref<128xi32, #tpu.memory_space<vmem>>)
        tpu.yield
      }) : () -> ()
      %add3A_345 = arith.constant 9984 : i32
      %add3A_346 = arith.addi %mul3A_14, %add3A_345 : i32
      %run_scoped3A_347 = arith.constant 1 : i32
      "tpu.region"() ({
        %run_scoped3A_348 = tpu.sem_alloc : memref<!tpu.dma_semaphore, #tpu.memory_space<semaphore_mem>>
        %dma_start3A_349 = arith.constant 9984 : i32
        %dma_start3A_350 = tpu.memref_slice %arg9[%dma_start3A_349] : memref<10112xi32, #tpu.memory_space<vmem>> -> memref<128xi32, #tpu.memory_space<vmem>>
        %dma_start3A_351 = tpu.memref_slice %arg3[%run_scoped3A_347, %add3A_346] : memref<2x320000xi32, #tpu.memory_space<hbm>> -> memref<1x128xi32, #tpu.memory_space<hbm>>
        %dma_start3A_352 = tpu.memref_squeeze %dma_start3A_351 : memref<1x128xi32, #tpu.memory_space<hbm>> -> memref<128xi32, #tpu.memory_space<hbm>>
        %dma_start3A_353 = arith.constant 9984 : i32
        %dma_start3A_354 = tpu.memref_slice %arg9[%dma_start3A_353] : memref<10112xi32, #tpu.memory_space<vmem>> -> memref<128xi32, #tpu.memory_space<vmem>>
        %dma_start3A_355 = tpu.memref_slice %arg3[%run_scoped3A_347, %add3A_346] : memref<2x320000xi32, #tpu.memory_space<hbm>> -> memref<1x128xi32, #tpu.memory_space<hbm>>
        %dma_start3A_356 = tpu.memref_squeeze %dma_start3A_355 : memref<1x128xi32, #tpu.memory_space<hbm>> -> memref<128xi32, #tpu.memory_space<hbm>>
        tpu.enqueue_dma source(%dma_start3A_356 : memref<128xi32, #tpu.memory_space<hbm>>) target(%dma_start3A_354 : memref<128xi32, #tpu.memory_space<vmem>>) target_semaphore(%run_scoped3A_348 : memref<!tpu.dma_semaphore, #tpu.memory_space<semaphore_mem>>)
        %dma_wait3A_357 = arith.constant 9984 : i32
        %dma_wait3A_358 = tpu.memref_slice %arg9[%dma_wait3A_357] : memref<10112xi32, #tpu.memory_space<vmem>> -> memref<128xi32, #tpu.memory_space<vmem>>
        %dma_wait3A_359 = tpu.memref_slice %arg3[%run_scoped3A_347, %add3A_346] : memref<2x320000xi32, #tpu.memory_space<hbm>> -> memref<1x128xi32, #tpu.memory_space<hbm>>
        %dma_wait3A_360 = tpu.memref_squeeze %dma_wait3A_359 : memref<1x128xi32, #tpu.memory_space<hbm>> -> memref<128xi32, #tpu.memory_space<hbm>>
        %dma_wait3A_361 = arith.constant 9984 : i32
        %dma_wait3A_362 = tpu.memref_slice %arg9[%dma_wait3A_361] : memref<10112xi32, #tpu.memory_space<vmem>> -> memref<128xi32, #tpu.memory_space<vmem>>
        %dma_wait3A_363 = tpu.memref_slice %arg3[%run_scoped3A_347, %add3A_346] : memref<2x320000xi32, #tpu.memory_space<hbm>> -> memref<1x128xi32, #tpu.memory_space<hbm>>
        %dma_wait3A_364 = tpu.memref_squeeze %dma_wait3A_363 : memref<1x128xi32, #tpu.memory_space<hbm>> -> memref<128xi32, #tpu.memory_space<hbm>>
        tpu.wait_dma2 semaphore(%run_scoped3A_348 : memref<!tpu.dma_semaphore, #tpu.memory_space<semaphore_mem>>) src(%dma_wait3A_364 : memref<128xi32, #tpu.memory_space<hbm>>) dst(%dma_wait3A_362 : memref<128xi32, #tpu.memory_space<vmem>>)
        tpu.yield
      }) : () -> ()
    } else {
    }
    %dma_wait3A = arith.constant 0 : i32
    %dma_wait3A_48 = arith.constant 0 : i32
    %dma_wait3A_49 = tpu.memref_slice %arg8[%dma_wait3A_48] : memref<10112xi32, #tpu.memory_space<vmem>> -> memref<9984xi32, #tpu.memory_space<vmem>>
    %dma_wait3A_50 = tpu.memref_slice %arg3[%dma_wait3A, %mul3A_14] : memref<2x320000xi32, #tpu.memory_space<hbm>> -> memref<1x9984xi32, #tpu.memory_space<hbm>>
    %dma_wait3A_51 = tpu.memref_squeeze %dma_wait3A_50 : memref<1x9984xi32, #tpu.memory_space<hbm>> -> memref<9984xi32, #tpu.memory_space<hbm>>
    %dma_wait3A_52 = arith.constant 0 : i32
    %dma_wait3A_53 = tpu.memref_slice %arg8[%dma_wait3A_52] : memref<10112xi32, #tpu.memory_space<vmem>> -> memref<9984xi32, #tpu.memory_space<vmem>>
    %dma_wait3A_54 = tpu.memref_slice %arg3[%dma_wait3A, %mul3A_14] : memref<2x320000xi32, #tpu.memory_space<hbm>> -> memref<1x9984xi32, #tpu.memory_space<hbm>>
    %dma_wait3A_55 = tpu.memref_squeeze %dma_wait3A_54 : memref<1x9984xi32, #tpu.memory_space<hbm>> -> memref<9984xi32, #tpu.memory_space<hbm>>
    tpu.wait_dma2 semaphore(%arg12 : memref<!tpu.dma_semaphore, #tpu.memory_space<semaphore_mem>>) src(%dma_wait3A_55 : memref<9984xi32, #tpu.memory_space<hbm>>) dst(%dma_wait3A_53 : memref<9984xi32, #tpu.memory_space<vmem>>)
    %dma_wait3A_56 = arith.constant 1 : i32
    %dma_wait3A_57 = arith.constant 0 : i32
    %dma_wait3A_58 = tpu.memref_slice %arg9[%dma_wait3A_57] : memref<10112xi32, #tpu.memory_space<vmem>> -> memref<9984xi32, #tpu.memory_space<vmem>>
    %dma_wait3A_59 = tpu.memref_slice %arg3[%dma_wait3A_56, %mul3A_14] : memref<2x320000xi32, #tpu.memory_space<hbm>> -> memref<1x9984xi32, #tpu.memory_space<hbm>>
    %dma_wait3A_60 = tpu.memref_squeeze %dma_wait3A_59 : memref<1x9984xi32, #tpu.memory_space<hbm>> -> memref<9984xi32, #tpu.memory_space<hbm>>
    %dma_wait3A_61 = arith.constant 0 : i32
    %dma_wait3A_62 = tpu.memref_slice %arg9[%dma_wait3A_61] : memref<10112xi32, #tpu.memory_space<vmem>> -> memref<9984xi32, #tpu.memory_space<vmem>>
    %dma_wait3A_63 = tpu.memref_slice %arg3[%dma_wait3A_56, %mul3A_14] : memref<2x320000xi32, #tpu.memory_space<hbm>> -> memref<1x9984xi32, #tpu.memory_space<hbm>>
    %dma_wait3A_64 = tpu.memref_squeeze %dma_wait3A_63 : memref<1x9984xi32, #tpu.memory_space<hbm>> -> memref<9984xi32, #tpu.memory_space<hbm>>
    tpu.wait_dma2 semaphore(%arg12 : memref<!tpu.dma_semaphore, #tpu.memory_space<semaphore_mem>>) src(%dma_wait3A_64 : memref<9984xi32, #tpu.memory_space<hbm>>) dst(%dma_wait3A_62 : memref<9984xi32, #tpu.memory_space<vmem>>)
    %barrier3A = arith.constant 0 : index
    tpu.barrier barrier_id(%barrier3A)
    %dma_start3A_65 = arith.constant 0 : i32
    %dma_start3A_66 = arith.constant 0 : i32
    %dma_start3A_67 = arith.constant 0 : i32
    %dma_start3A_68 = arith.constant 0 : i32
    %dma_start3A_69 = tpu.memref_slice %arg10[%dma_start3A_65, %dma_start3A_67, %dma_start3A_68] : memref<12x128x16xf32, #tpu.memory_space<vmem>> -> memref<1x128x16xf32, #tpu.memory_space<vmem>>
    %dma_start3A_70 = tpu.memref_squeeze %dma_start3A_69 : memref<1x128x16xf32, #tpu.memory_space<vmem>> -> memref<128x16xf32, #tpu.memory_space<vmem>>
    %dma_start3A_71 = arith.constant 0 : i32
    %dma_start3A_72 = tpu.memref_slice %arg8[%dma_start3A_71] : memref<10112xi32, #tpu.memory_space<vmem>> -> memref<128xi32, #tpu.memory_space<vmem>>
    %dma_start3A_73 = arith.constant 0 : i32
    %dma_start3A_74 = arith.constant 0 : i32
    %dma_start3A_75 = tpu.memref_slice %arg2[%dma_start3A_73, %dma_start3A_74] : memref<10000x16xf32, #tpu.memory_space<hbm>> -> memref<10000x16xf32, #tpu.memory_space<hbm>>
    %dma_start3A_76 = tpu.memref_slice %arg13[%dma_start3A_66] : memref<12x!tpu.dma_semaphore, #tpu.memory_space<semaphore_mem>> -> memref<1x!tpu.dma_semaphore, #tpu.memory_space<semaphore_mem>>
    %dma_start3A_77 = tpu.memref_squeeze %dma_start3A_76 : memref<1x!tpu.dma_semaphore, #tpu.memory_space<semaphore_mem>> -> memref<!tpu.dma_semaphore, #tpu.memory_space<semaphore_mem>>
    tpu.enqueue_indirect_dma source(%dma_start3A_75 : memref<10000x16xf32, #tpu.memory_space<hbm>>) target(%dma_start3A_70 : memref<128x16xf32, #tpu.memory_space<vmem>>) offsets(%dma_start3A_72 : memref<128xi32, #tpu.memory_space<vmem>>) semaphore(%dma_start3A_77 : memref<!tpu.dma_semaphore, #tpu.memory_space<semaphore_mem>>)
    %dma_start3A_78 = arith.constant 1 : i32
    %dma_start3A_79 = arith.constant 1 : i32
    %dma_start3A_80 = arith.constant 0 : i32
    %dma_start3A_81 = arith.constant 0 : i32
    %dma_start3A_82 = tpu.memref_slice %arg10[%dma_start3A_78, %dma_start3A_80, %dma_start3A_81] : memref<12x128x16xf32, #tpu.memory_space<vmem>> -> memref<1x128x16xf32, #tpu.memory_space<vmem>>
    %dma_start3A_83 = tpu.memref_squeeze %dma_start3A_82 : memref<1x128x16xf32, #tpu.memory_space<vmem>> -> memref<128x16xf32, #tpu.memory_space<vmem>>
    %dma_start3A_84 = arith.constant 128 : i32
    %dma_start3A_85 = tpu.memref_slice %arg8[%dma_start3A_84] : memref<10112xi32, #tpu.memory_space<vmem>> -> memref<128xi32, #tpu.memory_space<vmem>>
    %dma_start3A_86 = arith.constant 0 : i32
    %dma_start3A_87 = arith.constant 0 : i32
    %dma_start3A_88 = tpu.memref_slice %arg2[%dma_start3A_86, %dma_start3A_87] : memref<10000x16xf32, #tpu.memory_space<hbm>> -> memref<10000x16xf32, #tpu.memory_space<hbm>>
    %dma_start3A_89 = tpu.memref_slice %arg13[%dma_start3A_79] : memref<12x!tpu.dma_semaphore, #tpu.memory_space<semaphore_mem>> -> memref<1x!tpu.dma_semaphore, #tpu.memory_space<semaphore_mem>>
    %dma_start3A_90 = tpu.memref_squeeze %dma_start3A_89 : memref<1x!tpu.dma_semaphore, #tpu.memory_space<semaphore_mem>> -> memref<!tpu.dma_semaphore, #tpu.memory_space<semaphore_mem>>
    tpu.enqueue_indirect_dma source(%dma_start3A_88 : memref<10000x16xf32, #tpu.memory_space<hbm>>) target(%dma_start3A_83 : memref<128x16xf32, #tpu.memory_space<vmem>>) offsets(%dma_start3A_85 : memref<128xi32, #tpu.memory_space<vmem>>) semaphore(%dma_start3A_90 : memref<!tpu.dma_semaphore, #tpu.memory_space<semaphore_mem>>)
    %dma_start3A_91 = arith.constant 2 : i32
    %dma_start3A_92 = arith.constant 2 : i32
    %dma_start3A_93 = arith.constant 0 : i32
    %dma_start3A_94 = arith.constant 0 : i32
    %dma_start3A_95 = tpu.memref_slice %arg10[%dma_start3A_91, %dma_start3A_93, %dma_start3A_94] : memref<12x128x16xf32, #tpu.memory_space<vmem>> -> memref<1x128x16xf32, #tpu.memory_space<vmem>>
    %dma_start3A_96 = tpu.memref_squeeze %dma_start3A_95 : memref<1x128x16xf32, #tpu.memory_space<vmem>> -> memref<128x16xf32, #tpu.memory_space<vmem>>
    %dma_start3A_97 = arith.constant 256 : i32
    %dma_start3A_98 = tpu.memref_slice %arg8[%dma_start3A_97] : memref<10112xi32, #tpu.memory_space<vmem>> -> memref<128xi32, #tpu.memory_space<vmem>>
    %dma_start3A_99 = arith.constant 0 : i32
    %dma_start3A_100 = arith.constant 0 : i32
    %dma_start3A_101 = tpu.memref_slice %arg2[%dma_start3A_99, %dma_start3A_100] : memref<10000x16xf32, #tpu.memory_space<hbm>> -> memref<10000x16xf32, #tpu.memory_space<hbm>>
    %dma_start3A_102 = tpu.memref_slice %arg13[%dma_start3A_92] : memref<12x!tpu.dma_semaphore, #tpu.memory_space<semaphore_mem>> -> memref<1x!tpu.dma_semaphore, #tpu.memory_space<semaphore_mem>>
    %dma_start3A_103 = tpu.memref_squeeze %dma_start3A_102 : memref<1x!tpu.dma_semaphore, #tpu.memory_space<semaphore_mem>> -> memref<!tpu.dma_semaphore, #tpu.memory_space<semaphore_mem>>
    tpu.enqueue_indirect_dma source(%dma_start3A_101 : memref<10000x16xf32, #tpu.memory_space<hbm>>) target(%dma_start3A_96 : memref<128x16xf32, #tpu.memory_space<vmem>>) offsets(%dma_start3A_98 : memref<128xi32, #tpu.memory_space<vmem>>) semaphore(%dma_start3A_103 : memref<!tpu.dma_semaphore, #tpu.memory_space<semaphore_mem>>)
    %dma_start3A_104 = arith.constant 3 : i32
    %dma_start3A_105 = arith.constant 3 : i32
    %dma_start3A_106 = arith.constant 0 : i32
    %dma_start3A_107 = arith.constant 0 : i32
    %dma_start3A_108 = tpu.memref_slice %arg10[%dma_start3A_104, %dma_start3A_106, %dma_start3A_107] : memref<12x128x16xf32, #tpu.memory_space<vmem>> -> memref<1x128x16xf32, #tpu.memory_space<vmem>>
    %dma_start3A_109 = tpu.memref_squeeze %dma_start3A_108 : memref<1x128x16xf32, #tpu.memory_space<vmem>> -> memref<128x16xf32, #tpu.memory_space<vmem>>
    %dma_start3A_110 = arith.constant 384 : i32
    %dma_start3A_111 = tpu.memref_slice %arg8[%dma_start3A_110] : memref<10112xi32, #tpu.memory_space<vmem>> -> memref<128xi32, #tpu.memory_space<vmem>>
    %dma_start3A_112 = arith.constant 0 : i32
    %dma_start3A_113 = arith.constant 0 : i32
    %dma_start3A_114 = tpu.memref_slice %arg2[%dma_start3A_112, %dma_start3A_113] : memref<10000x16xf32, #tpu.memory_space<hbm>> -> memref<10000x16xf32, #tpu.memory_space<hbm>>
    %dma_start3A_115 = tpu.memref_slice %arg13[%dma_start3A_105] : memref<12x!tpu.dma_semaphore, #tpu.memory_space<semaphore_mem>> -> memref<1x!tpu.dma_semaphore, #tpu.memory_space<semaphore_mem>>
    %dma_start3A_116 = tpu.memref_squeeze %dma_start3A_115 : memref<1x!tpu.dma_semaphore, #tpu.memory_space<semaphore_mem>> -> memref<!tpu.dma_semaphore, #tpu.memory_space<semaphore_mem>>
    tpu.enqueue_indirect_dma source(%dma_start3A_114 : memref<10000x16xf32, #tpu.memory_space<hbm>>) target(%dma_start3A_109 : memref<128x16xf32, #tpu.memory_space<vmem>>) offsets(%dma_start3A_111 : memref<128xi32, #tpu.memory_space<vmem>>) semaphore(%dma_start3A_116 : memref<!tpu.dma_semaphore, #tpu.memory_space<semaphore_mem>>)
    %dma_start3A_117 = arith.constant 4 : i32
    %dma_start3A_118 = arith.constant 4 : i32
    %dma_start3A_119 = arith.constant 0 : i32
    %dma_start3A_120 = arith.constant 0 : i32
    %dma_start3A_121 = tpu.memref_slice %arg10[%dma_start3A_117, %dma_start3A_119, %dma_start3A_120] : memref<12x128x16xf32, #tpu.memory_space<vmem>> -> memref<1x128x16xf32, #tpu.memory_space<vmem>>
    %dma_start3A_122 = tpu.memref_squeeze %dma_start3A_121 : memref<1x128x16xf32, #tpu.memory_space<vmem>> -> memref<128x16xf32, #tpu.memory_space<vmem>>
    %dma_start3A_123 = arith.constant 512 : i32
    %dma_start3A_124 = tpu.memref_slice %arg8[%dma_start3A_123] : memref<10112xi32, #tpu.memory_space<vmem>> -> memref<128xi32, #tpu.memory_space<vmem>>
    %dma_start3A_125 = arith.constant 0 : i32
    %dma_start3A_126 = arith.constant 0 : i32
    %dma_start3A_127 = tpu.memref_slice %arg2[%dma_start3A_125, %dma_start3A_126] : memref<10000x16xf32, #tpu.memory_space<hbm>> -> memref<10000x16xf32, #tpu.memory_space<hbm>>
    %dma_start3A_128 = tpu.memref_slice %arg13[%dma_start3A_118] : memref<12x!tpu.dma_semaphore, #tpu.memory_space<semaphore_mem>> -> memref<1x!tpu.dma_semaphore, #tpu.memory_space<semaphore_mem>>
    %dma_start3A_129 = tpu.memref_squeeze %dma_start3A_128 : memref<1x!tpu.dma_semaphore, #tpu.memory_space<semaphore_mem>> -> memref<!tpu.dma_semaphore, #tpu.memory_space<semaphore_mem>>
    tpu.enqueue_indirect_dma source(%dma_start3A_127 : memref<10000x16xf32, #tpu.memory_space<hbm>>) target(%dma_start3A_122 : memref<128x16xf32, #tpu.memory_space<vmem>>) offsets(%dma_start3A_124 : memref<128xi32, #tpu.memory_space<vmem>>) semaphore(%dma_start3A_129 : memref<!tpu.dma_semaphore, #tpu.memory_space<semaphore_mem>>)
    %dma_start3A_130 = arith.constant 5 : i32
    %dma_start3A_131 = arith.constant 5 : i32
    %dma_start3A_132 = arith.constant 0 : i32
    %dma_start3A_133 = arith.constant 0 : i32
    %dma_start3A_134 = tpu.memref_slice %arg10[%dma_start3A_130, %dma_start3A_132, %dma_start3A_133] : memref<12x128x16xf32, #tpu.memory_space<vmem>> -> memref<1x128x16xf32, #tpu.memory_space<vmem>>
    %dma_start3A_135 = tpu.memref_squeeze %dma_start3A_134 : memref<1x128x16xf32, #tpu.memory_space<vmem>> -> memref<128x16xf32, #tpu.memory_space<vmem>>
    %dma_start3A_136 = arith.constant 640 : i32
    %dma_start3A_137 = tpu.memref_slice %arg8[%dma_start3A_136] : memref<10112xi32, #tpu.memory_space<vmem>> -> memref<128xi32, #tpu.memory_space<vmem>>
    %dma_start3A_138 = arith.constant 0 : i32
    %dma_start3A_139 = arith.constant 0 : i32
    %dma_start3A_140 = tpu.memref_slice %arg2[%dma_start3A_138, %dma_start3A_139] : memref<10000x16xf32, #tpu.memory_space<hbm>> -> memref<10000x16xf32, #tpu.memory_space<hbm>>
    %dma_start3A_141 = tpu.memref_slice %arg13[%dma_start3A_131] : memref<12x!tpu.dma_semaphore, #tpu.memory_space<semaphore_mem>> -> memref<1x!tpu.dma_semaphore, #tpu.memory_space<semaphore_mem>>
    %dma_start3A_142 = tpu.memref_squeeze %dma_start3A_141 : memref<1x!tpu.dma_semaphore, #tpu.memory_space<semaphore_mem>> -> memref<!tpu.dma_semaphore, #tpu.memory_space<semaphore_mem>>
    tpu.enqueue_indirect_dma source(%dma_start3A_140 : memref<10000x16xf32, #tpu.memory_space<hbm>>) target(%dma_start3A_135 : memref<128x16xf32, #tpu.memory_space<vmem>>) offsets(%dma_start3A_137 : memref<128xi32, #tpu.memory_space<vmem>>) semaphore(%dma_start3A_142 : memref<!tpu.dma_semaphore, #tpu.memory_space<semaphore_mem>>)
    %while3A = arith.constant 0 : i32
    %while3A_143 = arith.constant 0 : i32
    %while3A_144 = arith.subi %select_n3A, %while3A : i32
    %while3A_145 = arith.addi %while3A, %while3A_144 : i32
    %while3A_146 = arith.constant 1 : i32
    %while3A_147 = arith.divsi %while3A_144, %while3A_146 : i32
    %while3A_148 = arith.muli %while3A_147, %while3A_146 : i32
    %while3A_149 = arith.addi %while3A, %while3A_148 : i32
    %while3A_150 = arith.constant 1 : i32
    %while3A_151 = scf.for %while3A_343 = %while3A to %while3A_149 step %while3A_150 iter_args(%while3A_344 = %while3A_143) -> (i32)  : i32 {
      %rem3A = arith.constant 12 : i32
      %rem3A_345 = arith.remsi %while3A_343, %rem3A : i32
      %add3A_346 = arith.constant 6 : i32
      %add3A_347 = arith.addi %while3A_343, %add3A_346 : i32
      %rem3A_348 = arith.constant 12 : i32
      %rem3A_349 = arith.remsi %add3A_347, %rem3A_348 : i32
      %mul3A_350 = arith.constant 128 : i32
      %mul3A_351 = arith.muli %while3A_343, %mul3A_350 : i32
      %dma_wait3A_352 = arith.constant 0 : i32
      %dma_wait3A_353 = arith.constant 0 : i32
      %dma_wait3A_354 = tpu.memref_slice %arg10[%rem3A_345, %dma_wait3A_352, %dma_wait3A_353] : memref<12x128x16xf32, #tpu.memory_space<vmem>> -> memref<1x128x16xf32, #tpu.memory_space<vmem>>
      %dma_wait3A_355 = tpu.memref_squeeze %dma_wait3A_354 : memref<1x128x16xf32, #tpu.memory_space<vmem>> -> memref<128x16xf32, #tpu.memory_space<vmem>>
      %dma_wait3A_356 = tpu.memref_slice %arg8[%mul3A_351] : memref<10112xi32, #tpu.memory_space<vmem>> -> memref<128xi32, #tpu.memory_space<vmem>>
      %dma_wait3A_357 = arith.constant 0 : i32
      %dma_wait3A_358 = arith.constant 0 : i32
      %dma_wait3A_359 = tpu.memref_slice %arg2[%dma_wait3A_357, %dma_wait3A_358] : memref<10000x16xf32, #tpu.memory_space<hbm>> -> memref<10000x16xf32, #tpu.memory_space<hbm>>
      %dma_wait3A_360 = tpu.memref_slice %arg13[%rem3A_345] : memref<12x!tpu.dma_semaphore, #tpu.memory_space<semaphore_mem>> -> memref<1x!tpu.dma_semaphore, #tpu.memory_space<semaphore_mem>>
      %dma_wait3A_361 = tpu.memref_squeeze %dma_wait3A_360 : memref<1x!tpu.dma_semaphore, #tpu.memory_space<semaphore_mem>> -> memref<!tpu.dma_semaphore, #tpu.memory_space<semaphore_mem>>
      tpu.wait_indirect_dma semaphore(%dma_wait3A_361 : memref<!tpu.dma_semaphore, #tpu.memory_space<semaphore_mem>>) src(%dma_wait3A_359 : memref<10000x16xf32, #tpu.memory_space<hbm>>) dst(%dma_wait3A_355 : memref<128x16xf32, #tpu.memory_space<vmem>>)
      %mul3A_362 = arith.constant 128 : i32
      %mul3A_363 = arith.muli %while3A_343, %mul3A_362 : i32
      %dma_start3A_364 = arith.constant 0 : i32
      %dma_start3A_365 = arith.constant 0 : i32
      %dma_start3A_366 = tpu.memref_slice %arg10[%rem3A_345, %dma_start3A_364, %dma_start3A_365] : memref<12x128x16xf32, #tpu.memory_space<vmem>> -> memref<1x128x16xf32, #tpu.memory_space<vmem>>
      %dma_start3A_367 = tpu.memref_squeeze %dma_start3A_366 : memref<1x128x16xf32, #tpu.memory_space<vmem>> -> memref<128x16xf32, #tpu.memory_space<vmem>>
      %dma_start3A_368 = tpu.memref_slice %arg9[%mul3A_363] : memref<10112xi32, #tpu.memory_space<vmem>> -> memref<128xi32, #tpu.memory_space<vmem>>
      %dma_start3A_369 = arith.constant 0 : i32
      %dma_start3A_370 = arith.constant 0 : i32
      %dma_start3A_371 = tpu.memref_slice %arg6[%dma_start3A_369, %dma_start3A_370] : memref<10240x16xf32, #tpu.memory_space<vmem_shared>> -> memref<10240x16xf32, #tpu.memory_space<vmem_shared>>
      %dma_start3A_372 = tpu.memref_slice %arg14[%rem3A_345] : memref<12x!tpu.dma_semaphore, #tpu.memory_space<semaphore_mem>> -> memref<1x!tpu.dma_semaphore, #tpu.memory_space<semaphore_mem>>
      %dma_start3A_373 = tpu.memref_squeeze %dma_start3A_372 : memref<1x!tpu.dma_semaphore, #tpu.memory_space<semaphore_mem>> -> memref<!tpu.dma_semaphore, #tpu.memory_space<semaphore_mem>>
      tpu.enqueue_indirect_dma source(%dma_start3A_367 : memref<128x16xf32, #tpu.memory_space<vmem>>) target(%dma_start3A_371 : memref<10240x16xf32, #tpu.memory_space<vmem_shared>>) offsets(%dma_start3A_368 : memref<128xi32, #tpu.memory_space<vmem>>) semaphore(%dma_start3A_373 : memref<!tpu.dma_semaphore, #tpu.memory_space<semaphore_mem>>) {add = true}
      %dma_start3A_374 = tpu.memref_slice %arg9[%mul3A_363] : memref<10112xi32, #tpu.memory_space<vmem>> -> memref<128xi32, #tpu.memory_space<vmem>>
      %dma_start3A_375 = arith.constant 0 : i32
      %dma_start3A_376 = arith.constant 0 : i32
      %dma_start3A_377 = tpu.memref_slice %arg7[%dma_start3A_375, %dma_start3A_376] : memref<10240x16xf32, #tpu.memory_space<vmem_shared>> -> memref<10240x16xf32, #tpu.memory_space<vmem_shared>>
      tpu.enqueue_indirect_dma source(%arg11 : memref<128x16xf32, #tpu.memory_space<vmem>>) target(%dma_start3A_377 : memref<10240x16xf32, #tpu.memory_space<vmem_shared>>) offsets(%dma_start3A_374 : memref<128xi32, #tpu.memory_space<vmem>>) semaphore(%arg15 : memref<!tpu.dma_semaphore, #tpu.memory_space<semaphore_mem>>) {add = true}
      %ge3A = arith.constant 6 : i32
      %ge3A_378 = arith.cmpi sge, %while3A_343, %ge3A : i32
      %convert_element_type3A_379 = arith.extui %ge3A_378 : i1 to i32
      %cond3A_380 = arith.constant 0 : i32
      %cond3A_381 = arith.cmpi ne, %convert_element_type3A_379, %cond3A_380 : i32
      scf.if %cond3A_381 {
        %dma_wait3A_397 = tpu.memref_slice %arg9[%mul3A_363] : memref<10112xi32, #tpu.memory_space<vmem>> -> memref<128xi32, #tpu.memory_space<vmem>>
        %dma_wait3A_398 = arith.constant 0 : i32
        %dma_wait3A_399 = arith.constant 0 : i32
        %dma_wait3A_400 = tpu.memref_slice %arg7[%dma_wait3A_398, %dma_wait3A_399] : memref<10240x16xf32, #tpu.memory_space<vmem_shared>> -> memref<10240x16xf32, #tpu.memory_space<vmem_shared>>
        tpu.wait_indirect_dma semaphore(%arg15 : memref<!tpu.dma_semaphore, #tpu.memory_space<semaphore_mem>>) src(%arg11 : memref<128x16xf32, #tpu.memory_space<vmem>>) dst(%dma_wait3A_400 : memref<10240x16xf32, #tpu.memory_space<vmem_shared>>)
      } else {
      }
      %ge3A_382 = arith.constant 6 : i32
      %ge3A_383 = arith.cmpi sge, %while3A_343, %ge3A_382 : i32
      %add3A_384 = arith.constant 6 : i32
      %add3A_385 = arith.addi %while3A_343, %add3A_384 : i32
      %lt3A_386 = arith.cmpi slt, %add3A_385, %select_n3A : i32
      %and3A = arith.andi %ge3A_383, %lt3A_386 : i1
      %convert_element_type3A_387 = arith.extui %and3A : i1 to i32
      %cond3A_388 = arith.constant 0 : i32
      %cond3A_389 = arith.cmpi ne, %convert_element_type3A_387, %cond3A_388 : i32
      scf.if %cond3A_389 {
        %dma_wait3A_397 = arith.constant 0 : i32
        %dma_wait3A_398 = arith.constant 0 : i32
        %dma_wait3A_399 = tpu.memref_slice %arg10[%rem3A_349, %dma_wait3A_397, %dma_wait3A_398] : memref<12x128x16xf32, #tpu.memory_space<vmem>> -> memref<1x128x16xf32, #tpu.memory_space<vmem>>
        %dma_wait3A_400 = tpu.memref_squeeze %dma_wait3A_399 : memref<1x128x16xf32, #tpu.memory_space<vmem>> -> memref<128x16xf32, #tpu.memory_space<vmem>>
        %dma_wait3A_401 = tpu.memref_slice %arg9[%mul3A_363] : memref<10112xi32, #tpu.memory_space<vmem>> -> memref<128xi32, #tpu.memory_space<vmem>>
        %dma_wait3A_402 = arith.constant 0 : i32
        %dma_wait3A_403 = arith.constant 0 : i32
        %dma_wait3A_404 = tpu.memref_slice %arg6[%dma_wait3A_402, %dma_wait3A_403] : memref<10240x16xf32, #tpu.memory_space<vmem_shared>> -> memref<10240x16xf32, #tpu.memory_space<vmem_shared>>
        %dma_wait3A_405 = tpu.memref_slice %arg14[%rem3A_349] : memref<12x!tpu.dma_semaphore, #tpu.memory_space<semaphore_mem>> -> memref<1x!tpu.dma_semaphore, #tpu.memory_space<semaphore_mem>>
        %dma_wait3A_406 = tpu.memref_squeeze %dma_wait3A_405 : memref<1x!tpu.dma_semaphore, #tpu.memory_space<semaphore_mem>> -> memref<!tpu.dma_semaphore, #tpu.memory_space<semaphore_mem>>
        tpu.wait_indirect_dma semaphore(%dma_wait3A_406 : memref<!tpu.dma_semaphore, #tpu.memory_space<semaphore_mem>>) src(%dma_wait3A_400 : memref<128x16xf32, #tpu.memory_space<vmem>>) dst(%dma_wait3A_404 : memref<10240x16xf32, #tpu.memory_space<vmem_shared>>)
      } else {
      }
      %add3A_390 = arith.constant 6 : i32
      %add3A_391 = arith.addi %while3A_343, %add3A_390 : i32
      %lt3A_392 = arith.cmpi slt, %add3A_391, %select_n3A : i32
      %convert_element_type3A_393 = arith.extui %lt3A_392 : i1 to i32
      %cond3A_394 = arith.constant 0 : i32
      %cond3A_395 = arith.cmpi ne, %convert_element_type3A_393, %cond3A_394 : i32
      scf.if %cond3A_395 {
        %add3A_397 = arith.constant 6 : i32
        %add3A_398 = arith.addi %while3A_343, %add3A_397 : i32
        %mul3A_399 = arith.constant 128 : i32
        %mul3A_400 = arith.muli %add3A_398, %mul3A_399 : i32
        %dma_start3A_401 = arith.constant 0 : i32
        %dma_start3A_402 = arith.constant 0 : i32
        %dma_start3A_403 = tpu.memref_slice %arg10[%rem3A_349, %dma_start3A_401, %dma_start3A_402] : memref<12x128x16xf32, #tpu.memory_space<vmem>> -> memref<1x128x16xf32, #tpu.memory_space<vmem>>
        %dma_start3A_404 = tpu.memref_squeeze %dma_start3A_403 : memref<1x128x16xf32, #tpu.memory_space<vmem>> -> memref<128x16xf32, #tpu.memory_space<vmem>>
        %dma_start3A_405 = tpu.memref_slice %arg8[%mul3A_400] : memref<10112xi32, #tpu.memory_space<vmem>> -> memref<128xi32, #tpu.memory_space<vmem>>
        %dma_start3A_406 = arith.constant 0 : i32
        %dma_start3A_407 = arith.constant 0 : i32
        %dma_start3A_408 = tpu.memref_slice %arg2[%dma_start3A_406, %dma_start3A_407] : memref<10000x16xf32, #tpu.memory_space<hbm>> -> memref<10000x16xf32, #tpu.memory_space<hbm>>
        %dma_start3A_409 = tpu.memref_slice %arg13[%rem3A_349] : memref<12x!tpu.dma_semaphore, #tpu.memory_space<semaphore_mem>> -> memref<1x!tpu.dma_semaphore, #tpu.memory_space<semaphore_mem>>
        %dma_start3A_410 = tpu.memref_squeeze %dma_start3A_409 : memref<1x!tpu.dma_semaphore, #tpu.memory_space<semaphore_mem>> -> memref<!tpu.dma_semaphore, #tpu.memory_space<semaphore_mem>>
        tpu.enqueue_indirect_dma source(%dma_start3A_408 : memref<10000x16xf32, #tpu.memory_space<hbm>>) target(%dma_start3A_404 : memref<128x16xf32, #tpu.memory_space<vmem>>) offsets(%dma_start3A_405 : memref<128xi32, #tpu.memory_space<vmem>>) semaphore(%dma_start3A_410 : memref<!tpu.dma_semaphore, #tpu.memory_space<semaphore_mem>>)
      } else {
      }
      %while3A_396 = arith.constant 0 : i32
      scf.yield %while3A_396 : i32
    }
    %while3A_152 = arith.constant 1 : i32
    %while3A_153 = scf.for %while3A_343 = %while3A_149 to %while3A_145 step %while3A_152 iter_args(%while3A_344 = %while3A_151) -> (i32)  : i32 {
      %rem3A = arith.constant 12 : i32
      %rem3A_345 = arith.remsi %while3A_343, %rem3A : i32
      %add3A_346 = arith.constant 6 : i32
      %add3A_347 = arith.addi %while3A_343, %add3A_346 : i32
      %rem3A_348 = arith.constant 12 : i32
      %rem3A_349 = arith.remsi %add3A_347, %rem3A_348 : i32
      %mul3A_350 = arith.constant 128 : i32
      %mul3A_351 = arith.muli %while3A_343, %mul3A_350 : i32
      %dma_wait3A_352 = arith.constant 0 : i32
      %dma_wait3A_353 = arith.constant 0 : i32
      %dma_wait3A_354 = tpu.memref_slice %arg10[%rem3A_345, %dma_wait3A_352, %dma_wait3A_353] : memref<12x128x16xf32, #tpu.memory_space<vmem>> -> memref<1x128x16xf32, #tpu.memory_space<vmem>>
      %dma_wait3A_355 = tpu.memref_squeeze %dma_wait3A_354 : memref<1x128x16xf32, #tpu.memory_space<vmem>> -> memref<128x16xf32, #tpu.memory_space<vmem>>
      %dma_wait3A_356 = tpu.memref_slice %arg8[%mul3A_351] : memref<10112xi32, #tpu.memory_space<vmem>> -> memref<128xi32, #tpu.memory_space<vmem>>
      %dma_wait3A_357 = arith.constant 0 : i32
      %dma_wait3A_358 = arith.constant 0 : i32
      %dma_wait3A_359 = tpu.memref_slice %arg2[%dma_wait3A_357, %dma_wait3A_358] : memref<10000x16xf32, #tpu.memory_space<hbm>> -> memref<10000x16xf32, #tpu.memory_space<hbm>>
      %dma_wait3A_360 = tpu.memref_slice %arg13[%rem3A_345] : memref<12x!tpu.dma_semaphore, #tpu.memory_space<semaphore_mem>> -> memref<1x!tpu.dma_semaphore, #tpu.memory_space<semaphore_mem>>
      %dma_wait3A_361 = tpu.memref_squeeze %dma_wait3A_360 : memref<1x!tpu.dma_semaphore, #tpu.memory_space<semaphore_mem>> -> memref<!tpu.dma_semaphore, #tpu.memory_space<semaphore_mem>>
      tpu.wait_indirect_dma semaphore(%dma_wait3A_361 : memref<!tpu.dma_semaphore, #tpu.memory_space<semaphore_mem>>) src(%dma_wait3A_359 : memref<10000x16xf32, #tpu.memory_space<hbm>>) dst(%dma_wait3A_355 : memref<128x16xf32, #tpu.memory_space<vmem>>)
      %mul3A_362 = arith.constant 128 : i32
      %mul3A_363 = arith.muli %while3A_343, %mul3A_362 : i32
      %dma_start3A_364 = arith.constant 0 : i32
      %dma_start3A_365 = arith.constant 0 : i32
      %dma_start3A_366 = tpu.memref_slice %arg10[%rem3A_345, %dma_start3A_364, %dma_start3A_365] : memref<12x128x16xf32, #tpu.memory_space<vmem>> -> memref<1x128x16xf32, #tpu.memory_space<vmem>>
      %dma_start3A_367 = tpu.memref_squeeze %dma_start3A_366 : memref<1x128x16xf32, #tpu.memory_space<vmem>> -> memref<128x16xf32, #tpu.memory_space<vmem>>
      %dma_start3A_368 = tpu.memref_slice %arg9[%mul3A_363] : memref<10112xi32, #tpu.memory_space<vmem>> -> memref<128xi32, #tpu.memory_space<vmem>>
      %dma_start3A_369 = arith.constant 0 : i32
      %dma_start3A_370 = arith.constant 0 : i32
      %dma_start3A_371 = tpu.memref_slice %arg6[%dma_start3A_369, %dma_start3A_370] : memref<10240x16xf32, #tpu.memory_space<vmem_shared>> -> memref<10240x16xf32, #tpu.memory_space<vmem_shared>>
      %dma_start3A_372 = tpu.memref_slice %arg14[%rem3A_345] : memref<12x!tpu.dma_semaphore, #tpu.memory_space<semaphore_mem>> -> memref<1x!tpu.dma_semaphore, #tpu.memory_space<semaphore_mem>>
      %dma_start3A_373 = tpu.memref_squeeze %dma_start3A_372 : memref<1x!tpu.dma_semaphore, #tpu.memory_space<semaphore_mem>> -> memref<!tpu.dma_semaphore, #tpu.memory_space<semaphore_mem>>
      tpu.enqueue_indirect_dma source(%dma_start3A_367 : memref<128x16xf32, #tpu.memory_space<vmem>>) target(%dma_start3A_371 : memref<10240x16xf32, #tpu.memory_space<vmem_shared>>) offsets(%dma_start3A_368 : memref<128xi32, #tpu.memory_space<vmem>>) semaphore(%dma_start3A_373 : memref<!tpu.dma_semaphore, #tpu.memory_space<semaphore_mem>>) {add = true}
      %dma_start3A_374 = tpu.memref_slice %arg9[%mul3A_363] : memref<10112xi32, #tpu.memory_space<vmem>> -> memref<128xi32, #tpu.memory_space<vmem>>
      %dma_start3A_375 = arith.constant 0 : i32
      %dma_start3A_376 = arith.constant 0 : i32
      %dma_start3A_377 = tpu.memref_slice %arg7[%dma_start3A_375, %dma_start3A_376] : memref<10240x16xf32, #tpu.memory_space<vmem_shared>> -> memref<10240x16xf32, #tpu.memory_space<vmem_shared>>
      tpu.enqueue_indirect_dma source(%arg11 : memref<128x16xf32, #tpu.memory_space<vmem>>) target(%dma_start3A_377 : memref<10240x16xf32, #tpu.memory_space<vmem_shared>>) offsets(%dma_start3A_374 : memref<128xi32, #tpu.memory_space<vmem>>) semaphore(%arg15 : memref<!tpu.dma_semaphore, #tpu.memory_space<semaphore_mem>>) {add = true}
      %ge3A = arith.constant 6 : i32
      %ge3A_378 = arith.cmpi sge, %while3A_343, %ge3A : i32
      %convert_element_type3A_379 = arith.extui %ge3A_378 : i1 to i32
      %cond3A_380 = arith.constant 0 : i32
      %cond3A_381 = arith.cmpi ne, %convert_element_type3A_379, %cond3A_380 : i32
      scf.if %cond3A_381 {
        %dma_wait3A_397 = tpu.memref_slice %arg9[%mul3A_363] : memref<10112xi32, #tpu.memory_space<vmem>> -> memref<128xi32, #tpu.memory_space<vmem>>
        %dma_wait3A_398 = arith.constant 0 : i32
        %dma_wait3A_399 = arith.constant 0 : i32
        %dma_wait3A_400 = tpu.memref_slice %arg7[%dma_wait3A_398, %dma_wait3A_399] : memref<10240x16xf32, #tpu.memory_space<vmem_shared>> -> memref<10240x16xf32, #tpu.memory_space<vmem_shared>>
        tpu.wait_indirect_dma semaphore(%arg15 : memref<!tpu.dma_semaphore, #tpu.memory_space<semaphore_mem>>) src(%arg11 : memref<128x16xf32, #tpu.memory_space<vmem>>) dst(%dma_wait3A_400 : memref<10240x16xf32, #tpu.memory_space<vmem_shared>>)
      } else {
      }
      %ge3A_382 = arith.constant 6 : i32
      %ge3A_383 = arith.cmpi sge, %while3A_343, %ge3A_382 : i32
      %add3A_384 = arith.constant 6 : i32
      %add3A_385 = arith.addi %while3A_343, %add3A_384 : i32
      %lt3A_386 = arith.cmpi slt, %add3A_385, %select_n3A : i32
      %and3A = arith.andi %ge3A_383, %lt3A_386 : i1
      %convert_element_type3A_387 = arith.extui %and3A : i1 to i32
      %cond3A_388 = arith.constant 0 : i32
      %cond3A_389 = arith.cmpi ne, %convert_element_type3A_387, %cond3A_388 : i32
      scf.if %cond3A_389 {
        %dma_wait3A_397 = arith.constant 0 : i32
        %dma_wait3A_398 = arith.constant 0 : i32
        %dma_wait3A_399 = tpu.memref_slice %arg10[%rem3A_349, %dma_wait3A_397, %dma_wait3A_398] : memref<12x128x16xf32, #tpu.memory_space<vmem>> -> memref<1x128x16xf32, #tpu.memory_space<vmem>>
        %dma_wait3A_400 = tpu.memref_squeeze %dma_wait3A_399 : memref<1x128x16xf32, #tpu.memory_space<vmem>> -> memref<128x16xf32, #tpu.memory_space<vmem>>
        %dma_wait3A_401 = tpu.memref_slice %arg9[%mul3A_363] : memref<10112xi32, #tpu.memory_space<vmem>> -> memref<128xi32, #tpu.memory_space<vmem>>
        %dma_wait3A_402 = arith.constant 0 : i32
        %dma_wait3A_403 = arith.constant 0 : i32
        %dma_wait3A_404 = tpu.memref_slice %arg6[%dma_wait3A_402, %dma_wait3A_403] : memref<10240x16xf32, #tpu.memory_space<vmem_shared>> -> memref<10240x16xf32, #tpu.memory_space<vmem_shared>>
        %dma_wait3A_405 = tpu.memref_slice %arg14[%rem3A_349] : memref<12x!tpu.dma_semaphore, #tpu.memory_space<semaphore_mem>> -> memref<1x!tpu.dma_semaphore, #tpu.memory_space<semaphore_mem>>
        %dma_wait3A_406 = tpu.memref_squeeze %dma_wait3A_405 : memref<1x!tpu.dma_semaphore, #tpu.memory_space<semaphore_mem>> -> memref<!tpu.dma_semaphore, #tpu.memory_space<semaphore_mem>>
        tpu.wait_indirect_dma semaphore(%dma_wait3A_406 : memref<!tpu.dma_semaphore, #tpu.memory_space<semaphore_mem>>) src(%dma_wait3A_400 : memref<128x16xf32, #tpu.memory_space<vmem>>) dst(%dma_wait3A_404 : memref<10240x16xf32, #tpu.memory_space<vmem_shared>>)
      } else {
      }
      %add3A_390 = arith.constant 6 : i32
      %add3A_391 = arith.addi %while3A_343, %add3A_390 : i32
      %lt3A_392 = arith.cmpi slt, %add3A_391, %select_n3A : i32
      %convert_element_type3A_393 = arith.extui %lt3A_392 : i1 to i32
      %cond3A_394 = arith.constant 0 : i32
      %cond3A_395 = arith.cmpi ne, %convert_element_type3A_393, %cond3A_394 : i32
      scf.if %cond3A_395 {
        %add3A_397 = arith.constant 6 : i32
        %add3A_398 = arith.addi %while3A_343, %add3A_397 : i32
        %mul3A_399 = arith.constant 128 : i32
        %mul3A_400 = arith.muli %add3A_398, %mul3A_399 : i32
        %dma_start3A_401 = arith.constant 0 : i32
        %dma_start3A_402 = arith.constant 0 : i32
        %dma_start3A_403 = tpu.memref_slice %arg10[%rem3A_349, %dma_start3A_401, %dma_start3A_402] : memref<12x128x16xf32, #tpu.memory_space<vmem>> -> memref<1x128x16xf32, #tpu.memory_space<vmem>>
        %dma_start3A_404 = tpu.memref_squeeze %dma_start3A_403 : memref<1x128x16xf32, #tpu.memory_space<vmem>> -> memref<128x16xf32, #tpu.memory_space<vmem>>
        %dma_start3A_405 = tpu.memref_slice %arg8[%mul3A_400] : memref<10112xi32, #tpu.memory_space<vmem>> -> memref<128xi32, #tpu.memory_space<vmem>>
        %dma_start3A_406 = arith.constant 0 : i32
        %dma_start3A_407 = arith.constant 0 : i32
        %dma_start3A_408 = tpu.memref_slice %arg2[%dma_start3A_406, %dma_start3A_407] : memref<10000x16xf32, #tpu.memory_space<hbm>> -> memref<10000x16xf32, #tpu.memory_space<hbm>>
        %dma_start3A_409 = tpu.memref_slice %arg13[%rem3A_349] : memref<12x!tpu.dma_semaphore, #tpu.memory_space<semaphore_mem>> -> memref<1x!tpu.dma_semaphore, #tpu.memory_space<semaphore_mem>>
        %dma_start3A_410 = tpu.memref_squeeze %dma_start3A_409 : memref<1x!tpu.dma_semaphore, #tpu.memory_space<semaphore_mem>> -> memref<!tpu.dma_semaphore, #tpu.memory_space<semaphore_mem>>
        tpu.enqueue_indirect_dma source(%dma_start3A_408 : memref<10000x16xf32, #tpu.memory_space<hbm>>) target(%dma_start3A_404 : memref<128x16xf32, #tpu.memory_space<vmem>>) offsets(%dma_start3A_405 : memref<128xi32, #tpu.memory_space<vmem>>) semaphore(%dma_start3A_410 : memref<!tpu.dma_semaphore, #tpu.memory_space<semaphore_mem>>)
      } else {
      }
      %while3A_396 = arith.constant 0 : i32
      scf.yield %while3A_396 : i32
    }
    %dma_wait3A_154 = arith.constant 0 : i32
    %dma_wait3A_155 = tpu.memref_slice %arg9[%dma_wait3A_154] : memref<10112xi32, #tpu.memory_space<vmem>> -> memref<128xi32, #tpu.memory_space<vmem>>
    %dma_wait3A_156 = arith.constant 0 : i32
    %dma_wait3A_157 = arith.constant 0 : i32
    %dma_wait3A_158 = tpu.memref_slice %arg7[%dma_wait3A_156, %dma_wait3A_157] : memref<10240x16xf32, #tpu.memory_space<vmem_shared>> -> memref<10240x16xf32, #tpu.memory_space<vmem_shared>>
    tpu.wait_indirect_dma semaphore(%arg15 : memref<!tpu.dma_semaphore, #tpu.memory_space<semaphore_mem>>) src(%arg11 : memref<128x16xf32, #tpu.memory_space<vmem>>) dst(%dma_wait3A_158 : memref<10240x16xf32, #tpu.memory_space<vmem_shared>>)
    %dma_wait3A_159 = arith.constant 0 : i32
    %dma_wait3A_160 = tpu.memref_slice %arg9[%dma_wait3A_159] : memref<10112xi32, #tpu.memory_space<vmem>> -> memref<128xi32, #tpu.memory_space<vmem>>
    %dma_wait3A_161 = arith.constant 0 : i32
    %dma_wait3A_162 = arith.constant 0 : i32
    %dma_wait3A_163 = tpu.memref_slice %arg7[%dma_wait3A_161, %dma_wait3A_162] : memref<10240x16xf32, #tpu.memory_space<vmem_shared>> -> memref<10240x16xf32, #tpu.memory_space<vmem_shared>>
    tpu.wait_indirect_dma semaphore(%arg15 : memref<!tpu.dma_semaphore, #tpu.memory_space<semaphore_mem>>) src(%arg11 : memref<128x16xf32, #tpu.memory_space<vmem>>) dst(%dma_wait3A_163 : memref<10240x16xf32, #tpu.memory_space<vmem_shared>>)
    %dma_wait3A_164 = arith.constant 0 : i32
    %dma_wait3A_165 = tpu.memref_slice %arg9[%dma_wait3A_164] : memref<10112xi32, #tpu.memory_space<vmem>> -> memref<128xi32, #tpu.memory_space<vmem>>
    %dma_wait3A_166 = arith.constant 0 : i32
    %dma_wait3A_167 = arith.constant 0 : i32
    %dma_wait3A_168 = tpu.memref_slice %arg7[%dma_wait3A_166, %dma_wait3A_167] : memref<10240x16xf32, #tpu.memory_space<vmem_shared>> -> memref<10240x16xf32, #tpu.memory_space<vmem_shared>>
    tpu.wait_indirect_dma semaphore(%arg15 : memref<!tpu.dma_semaphore, #tpu.memory_space<semaphore_mem>>) src(%arg11 : memref<128x16xf32, #tpu.memory_space<vmem>>) dst(%dma_wait3A_168 : memref<10240x16xf32, #tpu.memory_space<vmem_shared>>)
    %dma_wait3A_169 = arith.constant 0 : i32
    %dma_wait3A_170 = tpu.memref_slice %arg9[%dma_wait3A_169] : memref<10112xi32, #tpu.memory_space<vmem>> -> memref<128xi32, #tpu.memory_space<vmem>>
    %dma_wait3A_171 = arith.constant 0 : i32
    %dma_wait3A_172 = arith.constant 0 : i32
    %dma_wait3A_173 = tpu.memref_slice %arg7[%dma_wait3A_171, %dma_wait3A_172] : memref<10240x16xf32, #tpu.memory_space<vmem_shared>> -> memref<10240x16xf32, #tpu.memory_space<vmem_shared>>
    tpu.wait_indirect_dma semaphore(%arg15 : memref<!tpu.dma_semaphore, #tpu.memory_space<semaphore_mem>>) src(%arg11 : memref<128x16xf32, #tpu.memory_space<vmem>>) dst(%dma_wait3A_173 : memref<10240x16xf32, #tpu.memory_space<vmem_shared>>)
    %dma_wait3A_174 = arith.constant 0 : i32
    %dma_wait3A_175 = tpu.memref_slice %arg9[%dma_wait3A_174] : memref<10112xi32, #tpu.memory_space<vmem>> -> memref<128xi32, #tpu.memory_space<vmem>>
    %dma_wait3A_176 = arith.constant 0 : i32
    %dma_wait3A_177 = arith.constant 0 : i32
    %dma_wait3A_178 = tpu.memref_slice %arg7[%dma_wait3A_176, %dma_wait3A_177] : memref<10240x16xf32, #tpu.memory_space<vmem_shared>> -> memref<10240x16xf32, #tpu.memory_space<vmem_shared>>
    tpu.wait_indirect_dma semaphore(%arg15 : memref<!tpu.dma_semaphore, #tpu.memory_space<semaphore_mem>>) src(%arg11 : memref<128x16xf32, #tpu.memory_space<vmem>>) dst(%dma_wait3A_178 : memref<10240x16xf32, #tpu.memory_space<vmem_shared>>)
    %dma_wait3A_179 = arith.constant 0 : i32
    %dma_wait3A_180 = tpu.memref_slice %arg9[%dma_wait3A_179] : memref<10112xi32, #tpu.memory_space<vmem>> -> memref<128xi32, #tpu.memory_space<vmem>>
    %dma_wait3A_181 = arith.constant 0 : i32
    %dma_wait3A_182 = arith.constant 0 : i32
    %dma_wait3A_183 = tpu.memref_slice %arg7[%dma_wait3A_181, %dma_wait3A_182] : memref<10240x16xf32, #tpu.memory_space<vmem_shared>> -> memref<10240x16xf32, #tpu.memory_space<vmem_shared>>
    tpu.wait_indirect_dma semaphore(%arg15 : memref<!tpu.dma_semaphore, #tpu.memory_space<semaphore_mem>>) src(%arg11 : memref<128x16xf32, #tpu.memory_space<vmem>>) dst(%dma_wait3A_183 : memref<10240x16xf32, #tpu.memory_space<vmem_shared>>)
    %dma_wait3A_184 = arith.constant 0 : i32
    %dma_wait3A_185 = arith.constant 0 : i32
    %dma_wait3A_186 = arith.constant 0 : i32
    %dma_wait3A_187 = arith.constant 0 : i32
    %dma_wait3A_188 = tpu.memref_slice %arg10[%dma_wait3A_184, %dma_wait3A_186, %dma_wait3A_187] : memref<12x128x16xf32, #tpu.memory_space<vmem>> -> memref<1x128x16xf32, #tpu.memory_space<vmem>>
    %dma_wait3A_189 = tpu.memref_squeeze %dma_wait3A_188 : memref<1x128x16xf32, #tpu.memory_space<vmem>> -> memref<128x16xf32, #tpu.memory_space<vmem>>
    %dma_wait3A_190 = arith.constant 0 : i32
    %dma_wait3A_191 = tpu.memref_slice %arg9[%dma_wait3A_190] : memref<10112xi32, #tpu.memory_space<vmem>> -> memref<128xi32, #tpu.memory_space<vmem>>
    %dma_wait3A_192 = arith.constant 0 : i32
    %dma_wait3A_193 = arith.constant 0 : i32
    %dma_wait3A_194 = tpu.memref_slice %arg6[%dma_wait3A_192, %dma_wait3A_193] : memref<10240x16xf32, #tpu.memory_space<vmem_shared>> -> memref<10240x16xf32, #tpu.memory_space<vmem_shared>>
    %dma_wait3A_195 = tpu.memref_slice %arg14[%dma_wait3A_185] : memref<12x!tpu.dma_semaphore, #tpu.memory_space<semaphore_mem>> -> memref<1x!tpu.dma_semaphore, #tpu.memory_space<semaphore_mem>>
    %dma_wait3A_196 = tpu.memref_squeeze %dma_wait3A_195 : memref<1x!tpu.dma_semaphore, #tpu.memory_space<semaphore_mem>> -> memref<!tpu.dma_semaphore, #tpu.memory_space<semaphore_mem>>
    tpu.wait_indirect_dma semaphore(%dma_wait3A_196 : memref<!tpu.dma_semaphore, #tpu.memory_space<semaphore_mem>>) src(%dma_wait3A_189 : memref<128x16xf32, #tpu.memory_space<vmem>>) dst(%dma_wait3A_194 : memref<10240x16xf32, #tpu.memory_space<vmem_shared>>)
    %dma_wait3A_197 = arith.constant 1 : i32
    %dma_wait3A_198 = arith.constant 1 : i32
    %dma_wait3A_199 = arith.constant 0 : i32
    %dma_wait3A_200 = arith.constant 0 : i32
    %dma_wait3A_201 = tpu.memref_slice %arg10[%dma_wait3A_197, %dma_wait3A_199, %dma_wait3A_200] : memref<12x128x16xf32, #tpu.memory_space<vmem>> -> memref<1x128x16xf32, #tpu.memory_space<vmem>>
    %dma_wait3A_202 = tpu.memref_squeeze %dma_wait3A_201 : memref<1x128x16xf32, #tpu.memory_space<vmem>> -> memref<128x16xf32, #tpu.memory_space<vmem>>
    %dma_wait3A_203 = arith.constant 0 : i32
    %dma_wait3A_204 = tpu.memref_slice %arg9[%dma_wait3A_203] : memref<10112xi32, #tpu.memory_space<vmem>> -> memref<128xi32, #tpu.memory_space<vmem>>
    %dma_wait3A_205 = arith.constant 0 : i32
    %dma_wait3A_206 = arith.constant 0 : i32
    %dma_wait3A_207 = tpu.memref_slice %arg6[%dma_wait3A_205, %dma_wait3A_206] : memref<10240x16xf32, #tpu.memory_space<vmem_shared>> -> memref<10240x16xf32, #tpu.memory_space<vmem_shared>>
    %dma_wait3A_208 = tpu.memref_slice %arg14[%dma_wait3A_198] : memref<12x!tpu.dma_semaphore, #tpu.memory_space<semaphore_mem>> -> memref<1x!tpu.dma_semaphore, #tpu.memory_space<semaphore_mem>>
    %dma_wait3A_209 = tpu.memref_squeeze %dma_wait3A_208 : memref<1x!tpu.dma_semaphore, #tpu.memory_space<semaphore_mem>> -> memref<!tpu.dma_semaphore, #tpu.memory_space<semaphore_mem>>
    tpu.wait_indirect_dma semaphore(%dma_wait3A_209 : memref<!tpu.dma_semaphore, #tpu.memory_space<semaphore_mem>>) src(%dma_wait3A_202 : memref<128x16xf32, #tpu.memory_space<vmem>>) dst(%dma_wait3A_207 : memref<10240x16xf32, #tpu.memory_space<vmem_shared>>)
    %dma_wait3A_210 = arith.constant 2 : i32
    %dma_wait3A_211 = arith.constant 2 : i32
    %dma_wait3A_212 = arith.constant 0 : i32
    %dma_wait3A_213 = arith.constant 0 : i32
    %dma_wait3A_214 = tpu.memref_slice %arg10[%dma_wait3A_210, %dma_wait3A_212, %dma_wait3A_213] : memref<12x128x16xf32, #tpu.memory_space<vmem>> -> memref<1x128x16xf32, #tpu.memory_space<vmem>>
    %dma_wait3A_215 = tpu.memref_squeeze %dma_wait3A_214 : memref<1x128x16xf32, #tpu.memory_space<vmem>> -> memref<128x16xf32, #tpu.memory_space<vmem>>
    %dma_wait3A_216 = arith.constant 0 : i32
    %dma_wait3A_217 = tpu.memref_slice %arg9[%dma_wait3A_216] : memref<10112xi32, #tpu.memory_space<vmem>> -> memref<128xi32, #tpu.memory_space<vmem>>
    %dma_wait3A_218 = arith.constant 0 : i32
    %dma_wait3A_219 = arith.constant 0 : i32
    %dma_wait3A_220 = tpu.memref_slice %arg6[%dma_wait3A_218, %dma_wait3A_219] : memref<10240x16xf32, #tpu.memory_space<vmem_shared>> -> memref<10240x16xf32, #tpu.memory_space<vmem_shared>>
    %dma_wait3A_221 = tpu.memref_slice %arg14[%dma_wait3A_211] : memref<12x!tpu.dma_semaphore, #tpu.memory_space<semaphore_mem>> -> memref<1x!tpu.dma_semaphore, #tpu.memory_space<semaphore_mem>>
    %dma_wait3A_222 = tpu.memref_squeeze %dma_wait3A_221 : memref<1x!tpu.dma_semaphore, #tpu.memory_space<semaphore_mem>> -> memref<!tpu.dma_semaphore, #tpu.memory_space<semaphore_mem>>
    tpu.wait_indirect_dma semaphore(%dma_wait3A_222 : memref<!tpu.dma_semaphore, #tpu.memory_space<semaphore_mem>>) src(%dma_wait3A_215 : memref<128x16xf32, #tpu.memory_space<vmem>>) dst(%dma_wait3A_220 : memref<10240x16xf32, #tpu.memory_space<vmem_shared>>)
    %dma_wait3A_223 = arith.constant 3 : i32
    %dma_wait3A_224 = arith.constant 3 : i32
    %dma_wait3A_225 = arith.constant 0 : i32
    %dma_wait3A_226 = arith.constant 0 : i32
    %dma_wait3A_227 = tpu.memref_slice %arg10[%dma_wait3A_223, %dma_wait3A_225, %dma_wait3A_226] : memref<12x128x16xf32, #tpu.memory_space<vmem>> -> memref<1x128x16xf32, #tpu.memory_space<vmem>>
    %dma_wait3A_228 = tpu.memref_squeeze %dma_wait3A_227 : memref<1x128x16xf32, #tpu.memory_space<vmem>> -> memref<128x16xf32, #tpu.memory_space<vmem>>
    %dma_wait3A_229 = arith.constant 0 : i32
    %dma_wait3A_230 = tpu.memref_slice %arg9[%dma_wait3A_229] : memref<10112xi32, #tpu.memory_space<vmem>> -> memref<128xi32, #tpu.memory_space<vmem>>
    %dma_wait3A_231 = arith.constant 0 : i32
    %dma_wait3A_232 = arith.constant 0 : i32
    %dma_wait3A_233 = tpu.memref_slice %arg6[%dma_wait3A_231, %dma_wait3A_232] : memref<10240x16xf32, #tpu.memory_space<vmem_shared>> -> memref<10240x16xf32, #tpu.memory_space<vmem_shared>>
    %dma_wait3A_234 = tpu.memref_slice %arg14[%dma_wait3A_224] : memref<12x!tpu.dma_semaphore, #tpu.memory_space<semaphore_mem>> -> memref<1x!tpu.dma_semaphore, #tpu.memory_space<semaphore_mem>>
    %dma_wait3A_235 = tpu.memref_squeeze %dma_wait3A_234 : memref<1x!tpu.dma_semaphore, #tpu.memory_space<semaphore_mem>> -> memref<!tpu.dma_semaphore, #tpu.memory_space<semaphore_mem>>
    tpu.wait_indirect_dma semaphore(%dma_wait3A_235 : memref<!tpu.dma_semaphore, #tpu.memory_space<semaphore_mem>>) src(%dma_wait3A_228 : memref<128x16xf32, #tpu.memory_space<vmem>>) dst(%dma_wait3A_233 : memref<10240x16xf32, #tpu.memory_space<vmem_shared>>)
    %dma_wait3A_236 = arith.constant 4 : i32
    %dma_wait3A_237 = arith.constant 4 : i32
    %dma_wait3A_238 = arith.constant 0 : i32
    %dma_wait3A_239 = arith.constant 0 : i32
    %dma_wait3A_240 = tpu.memref_slice %arg10[%dma_wait3A_236, %dma_wait3A_238, %dma_wait3A_239] : memref<12x128x16xf32, #tpu.memory_space<vmem>> -> memref<1x128x16xf32, #tpu.memory_space<vmem>>
    %dma_wait3A_241 = tpu.memref_squeeze %dma_wait3A_240 : memref<1x128x16xf32, #tpu.memory_space<vmem>> -> memref<128x16xf32, #tpu.memory_space<vmem>>
    %dma_wait3A_242 = arith.constant 0 : i32
    %dma_wait3A_243 = tpu.memref_slice %arg9[%dma_wait3A_242] : memref<10112xi32, #tpu.memory_space<vmem>> -> memref<128xi32, #tpu.memory_space<vmem>>
    %dma_wait3A_244 = arith.constant 0 : i32
    %dma_wait3A_245 = arith.constant 0 : i32
    %dma_wait3A_246 = tpu.memref_slice %arg6[%dma_wait3A_244, %dma_wait3A_245] : memref<10240x16xf32, #tpu.memory_space<vmem_shared>> -> memref<10240x16xf32, #tpu.memory_space<vmem_shared>>
    %dma_wait3A_247 = tpu.memref_slice %arg14[%dma_wait3A_237] : memref<12x!tpu.dma_semaphore, #tpu.memory_space<semaphore_mem>> -> memref<1x!tpu.dma_semaphore, #tpu.memory_space<semaphore_mem>>
    %dma_wait3A_248 = tpu.memref_squeeze %dma_wait3A_247 : memref<1x!tpu.dma_semaphore, #tpu.memory_space<semaphore_mem>> -> memref<!tpu.dma_semaphore, #tpu.memory_space<semaphore_mem>>
    tpu.wait_indirect_dma semaphore(%dma_wait3A_248 : memref<!tpu.dma_semaphore, #tpu.memory_space<semaphore_mem>>) src(%dma_wait3A_241 : memref<128x16xf32, #tpu.memory_space<vmem>>) dst(%dma_wait3A_246 : memref<10240x16xf32, #tpu.memory_space<vmem_shared>>)
    %dma_wait3A_249 = arith.constant 5 : i32
    %dma_wait3A_250 = arith.constant 5 : i32
    %dma_wait3A_251 = arith.constant 0 : i32
    %dma_wait3A_252 = arith.constant 0 : i32
    %dma_wait3A_253 = tpu.memref_slice %arg10[%dma_wait3A_249, %dma_wait3A_251, %dma_wait3A_252] : memref<12x128x16xf32, #tpu.memory_space<vmem>> -> memref<1x128x16xf32, #tpu.memory_space<vmem>>
    %dma_wait3A_254 = tpu.memref_squeeze %dma_wait3A_253 : memref<1x128x16xf32, #tpu.memory_space<vmem>> -> memref<128x16xf32, #tpu.memory_space<vmem>>
    %dma_wait3A_255 = arith.constant 0 : i32
    %dma_wait3A_256 = tpu.memref_slice %arg9[%dma_wait3A_255] : memref<10112xi32, #tpu.memory_space<vmem>> -> memref<128xi32, #tpu.memory_space<vmem>>
    %dma_wait3A_257 = arith.constant 0 : i32
    %dma_wait3A_258 = arith.constant 0 : i32
    %dma_wait3A_259 = tpu.memref_slice %arg6[%dma_wait3A_257, %dma_wait3A_258] : memref<10240x16xf32, #tpu.memory_space<vmem_shared>> -> memref<10240x16xf32, #tpu.memory_space<vmem_shared>>
    %dma_wait3A_260 = tpu.memref_slice %arg14[%dma_wait3A_250] : memref<12x!tpu.dma_semaphore, #tpu.memory_space<semaphore_mem>> -> memref<1x!tpu.dma_semaphore, #tpu.memory_space<semaphore_mem>>
    %dma_wait3A_261 = tpu.memref_squeeze %dma_wait3A_260 : memref<1x!tpu.dma_semaphore, #tpu.memory_space<semaphore_mem>> -> memref<!tpu.dma_semaphore, #tpu.memory_space<semaphore_mem>>
    tpu.wait_indirect_dma semaphore(%dma_wait3A_261 : memref<!tpu.dma_semaphore, #tpu.memory_space<semaphore_mem>>) src(%dma_wait3A_254 : memref<128x16xf32, #tpu.memory_space<vmem>>) dst(%dma_wait3A_259 : memref<10240x16xf32, #tpu.memory_space<vmem_shared>>)
    %dma_wait3A_262 = arith.constant 6 : i32
    %dma_wait3A_263 = arith.constant 6 : i32
    %dma_wait3A_264 = arith.constant 0 : i32
    %dma_wait3A_265 = arith.constant 0 : i32
    %dma_wait3A_266 = tpu.memref_slice %arg10[%dma_wait3A_262, %dma_wait3A_264, %dma_wait3A_265] : memref<12x128x16xf32, #tpu.memory_space<vmem>> -> memref<1x128x16xf32, #tpu.memory_space<vmem>>
    %dma_wait3A_267 = tpu.memref_squeeze %dma_wait3A_266 : memref<1x128x16xf32, #tpu.memory_space<vmem>> -> memref<128x16xf32, #tpu.memory_space<vmem>>
    %dma_wait3A_268 = arith.constant 0 : i32
    %dma_wait3A_269 = tpu.memref_slice %arg9[%dma_wait3A_268] : memref<10112xi32, #tpu.memory_space<vmem>> -> memref<128xi32, #tpu.memory_space<vmem>>
    %dma_wait3A_270 = arith.constant 0 : i32
    %dma_wait3A_271 = arith.constant 0 : i32
    %dma_wait3A_272 = tpu.memref_slice %arg6[%dma_wait3A_270, %dma_wait3A_271] : memref<10240x16xf32, #tpu.memory_space<vmem_shared>> -> memref<10240x16xf32, #tpu.memory_space<vmem_shared>>
    %dma_wait3A_273 = tpu.memref_slice %arg14[%dma_wait3A_263] : memref<12x!tpu.dma_semaphore, #tpu.memory_space<semaphore_mem>> -> memref<1x!tpu.dma_semaphore, #tpu.memory_space<semaphore_mem>>
    %dma_wait3A_274 = tpu.memref_squeeze %dma_wait3A_273 : memref<1x!tpu.dma_semaphore, #tpu.memory_space<semaphore_mem>> -> memref<!tpu.dma_semaphore, #tpu.memory_space<semaphore_mem>>
    tpu.wait_indirect_dma semaphore(%dma_wait3A_274 : memref<!tpu.dma_semaphore, #tpu.memory_space<semaphore_mem>>) src(%dma_wait3A_267 : memref<128x16xf32, #tpu.memory_space<vmem>>) dst(%dma_wait3A_272 : memref<10240x16xf32, #tpu.memory_space<vmem_shared>>)
    %dma_wait3A_275 = arith.constant 7 : i32
    %dma_wait3A_276 = arith.constant 7 : i32
    %dma_wait3A_277 = arith.constant 0 : i32
    %dma_wait3A_278 = arith.constant 0 : i32
    %dma_wait3A_279 = tpu.memref_slice %arg10[%dma_wait3A_275, %dma_wait3A_277, %dma_wait3A_278] : memref<12x128x16xf32, #tpu.memory_space<vmem>> -> memref<1x128x16xf32, #tpu.memory_space<vmem>>
    %dma_wait3A_280 = tpu.memref_squeeze %dma_wait3A_279 : memref<1x128x16xf32, #tpu.memory_space<vmem>> -> memref<128x16xf32, #tpu.memory_space<vmem>>
    %dma_wait3A_281 = arith.constant 0 : i32
    %dma_wait3A_282 = tpu.memref_slice %arg9[%dma_wait3A_281] : memref<10112xi32, #tpu.memory_space<vmem>> -> memref<128xi32, #tpu.memory_space<vmem>>
    %dma_wait3A_283 = arith.constant 0 : i32
    %dma_wait3A_284 = arith.constant 0 : i32
    %dma_wait3A_285 = tpu.memref_slice %arg6[%dma_wait3A_283, %dma_wait3A_284] : memref<10240x16xf32, #tpu.memory_space<vmem_shared>> -> memref<10240x16xf32, #tpu.memory_space<vmem_shared>>
    %dma_wait3A_286 = tpu.memref_slice %arg14[%dma_wait3A_276] : memref<12x!tpu.dma_semaphore, #tpu.memory_space<semaphore_mem>> -> memref<1x!tpu.dma_semaphore, #tpu.memory_space<semaphore_mem>>
    %dma_wait3A_287 = tpu.memref_squeeze %dma_wait3A_286 : memref<1x!tpu.dma_semaphore, #tpu.memory_space<semaphore_mem>> -> memref<!tpu.dma_semaphore, #tpu.memory_space<semaphore_mem>>
    tpu.wait_indirect_dma semaphore(%dma_wait3A_287 : memref<!tpu.dma_semaphore, #tpu.memory_space<semaphore_mem>>) src(%dma_wait3A_280 : memref<128x16xf32, #tpu.memory_space<vmem>>) dst(%dma_wait3A_285 : memref<10240x16xf32, #tpu.memory_space<vmem_shared>>)
    %dma_wait3A_288 = arith.constant 8 : i32
    %dma_wait3A_289 = arith.constant 8 : i32
    %dma_wait3A_290 = arith.constant 0 : i32
    %dma_wait3A_291 = arith.constant 0 : i32
    %dma_wait3A_292 = tpu.memref_slice %arg10[%dma_wait3A_288, %dma_wait3A_290, %dma_wait3A_291] : memref<12x128x16xf32, #tpu.memory_space<vmem>> -> memref<1x128x16xf32, #tpu.memory_space<vmem>>
    %dma_wait3A_293 = tpu.memref_squeeze %dma_wait3A_292 : memref<1x128x16xf32, #tpu.memory_space<vmem>> -> memref<128x16xf32, #tpu.memory_space<vmem>>
    %dma_wait3A_294 = arith.constant 0 : i32
    %dma_wait3A_295 = tpu.memref_slice %arg9[%dma_wait3A_294] : memref<10112xi32, #tpu.memory_space<vmem>> -> memref<128xi32, #tpu.memory_space<vmem>>
    %dma_wait3A_296 = arith.constant 0 : i32
    %dma_wait3A_297 = arith.constant 0 : i32
    %dma_wait3A_298 = tpu.memref_slice %arg6[%dma_wait3A_296, %dma_wait3A_297] : memref<10240x16xf32, #tpu.memory_space<vmem_shared>> -> memref<10240x16xf32, #tpu.memory_space<vmem_shared>>
    %dma_wait3A_299 = tpu.memref_slice %arg14[%dma_wait3A_289] : memref<12x!tpu.dma_semaphore, #tpu.memory_space<semaphore_mem>> -> memref<1x!tpu.dma_semaphore, #tpu.memory_space<semaphore_mem>>
    %dma_wait3A_300 = tpu.memref_squeeze %dma_wait3A_299 : memref<1x!tpu.dma_semaphore, #tpu.memory_space<semaphore_mem>> -> memref<!tpu.dma_semaphore, #tpu.memory_space<semaphore_mem>>
    tpu.wait_indirect_dma semaphore(%dma_wait3A_300 : memref<!tpu.dma_semaphore, #tpu.memory_space<semaphore_mem>>) src(%dma_wait3A_293 : memref<128x16xf32, #tpu.memory_space<vmem>>) dst(%dma_wait3A_298 : memref<10240x16xf32, #tpu.memory_space<vmem_shared>>)
    %dma_wait3A_301 = arith.constant 9 : i32
    %dma_wait3A_302 = arith.constant 9 : i32
    %dma_wait3A_303 = arith.constant 0 : i32
    %dma_wait3A_304 = arith.constant 0 : i32
    %dma_wait3A_305 = tpu.memref_slice %arg10[%dma_wait3A_301, %dma_wait3A_303, %dma_wait3A_304] : memref<12x128x16xf32, #tpu.memory_space<vmem>> -> memref<1x128x16xf32, #tpu.memory_space<vmem>>
    %dma_wait3A_306 = tpu.memref_squeeze %dma_wait3A_305 : memref<1x128x16xf32, #tpu.memory_space<vmem>> -> memref<128x16xf32, #tpu.memory_space<vmem>>
    %dma_wait3A_307 = arith.constant 0 : i32
    %dma_wait3A_308 = tpu.memref_slice %arg9[%dma_wait3A_307] : memref<10112xi32, #tpu.memory_space<vmem>> -> memref<128xi32, #tpu.memory_space<vmem>>
    %dma_wait3A_309 = arith.constant 0 : i32
    %dma_wait3A_310 = arith.constant 0 : i32
    %dma_wait3A_311 = tpu.memref_slice %arg6[%dma_wait3A_309, %dma_wait3A_310] : memref<10240x16xf32, #tpu.memory_space<vmem_shared>> -> memref<10240x16xf32, #tpu.memory_space<vmem_shared>>
    %dma_wait3A_312 = tpu.memref_slice %arg14[%dma_wait3A_302] : memref<12x!tpu.dma_semaphore, #tpu.memory_space<semaphore_mem>> -> memref<1x!tpu.dma_semaphore, #tpu.memory_space<semaphore_mem>>
    %dma_wait3A_313 = tpu.memref_squeeze %dma_wait3A_312 : memref<1x!tpu.dma_semaphore, #tpu.memory_space<semaphore_mem>> -> memref<!tpu.dma_semaphore, #tpu.memory_space<semaphore_mem>>
    tpu.wait_indirect_dma semaphore(%dma_wait3A_313 : memref<!tpu.dma_semaphore, #tpu.memory_space<semaphore_mem>>) src(%dma_wait3A_306 : memref<128x16xf32, #tpu.memory_space<vmem>>) dst(%dma_wait3A_311 : memref<10240x16xf32, #tpu.memory_space<vmem_shared>>)
    %dma_wait3A_314 = arith.constant 10 : i32
    %dma_wait3A_315 = arith.constant 10 : i32
    %dma_wait3A_316 = arith.constant 0 : i32
    %dma_wait3A_317 = arith.constant 0 : i32
    %dma_wait3A_318 = tpu.memref_slice %arg10[%dma_wait3A_314, %dma_wait3A_316, %dma_wait3A_317] : memref<12x128x16xf32, #tpu.memory_space<vmem>> -> memref<1x128x16xf32, #tpu.memory_space<vmem>>
    %dma_wait3A_319 = tpu.memref_squeeze %dma_wait3A_318 : memref<1x128x16xf32, #tpu.memory_space<vmem>> -> memref<128x16xf32, #tpu.memory_space<vmem>>
    %dma_wait3A_320 = arith.constant 0 : i32
    %dma_wait3A_321 = tpu.memref_slice %arg9[%dma_wait3A_320] : memref<10112xi32, #tpu.memory_space<vmem>> -> memref<128xi32, #tpu.memory_space<vmem>>
    %dma_wait3A_322 = arith.constant 0 : i32
    %dma_wait3A_323 = arith.constant 0 : i32
    %dma_wait3A_324 = tpu.memref_slice %arg6[%dma_wait3A_322, %dma_wait3A_323] : memref<10240x16xf32, #tpu.memory_space<vmem_shared>> -> memref<10240x16xf32, #tpu.memory_space<vmem_shared>>
    %dma_wait3A_325 = tpu.memref_slice %arg14[%dma_wait3A_315] : memref<12x!tpu.dma_semaphore, #tpu.memory_space<semaphore_mem>> -> memref<1x!tpu.dma_semaphore, #tpu.memory_space<semaphore_mem>>
    %dma_wait3A_326 = tpu.memref_squeeze %dma_wait3A_325 : memref<1x!tpu.dma_semaphore, #tpu.memory_space<semaphore_mem>> -> memref<!tpu.dma_semaphore, #tpu.memory_space<semaphore_mem>>
    tpu.wait_indirect_dma semaphore(%dma_wait3A_326 : memref<!tpu.dma_semaphore, #tpu.memory_space<semaphore_mem>>) src(%dma_wait3A_319 : memref<128x16xf32, #tpu.memory_space<vmem>>) dst(%dma_wait3A_324 : memref<10240x16xf32, #tpu.memory_space<vmem_shared>>)
    %dma_wait3A_327 = arith.constant 11 : i32
    %dma_wait3A_328 = arith.constant 11 : i32
    %dma_wait3A_329 = arith.constant 0 : i32
    %dma_wait3A_330 = arith.constant 0 : i32
    %dma_wait3A_331 = tpu.memref_slice %arg10[%dma_wait3A_327, %dma_wait3A_329, %dma_wait3A_330] : memref<12x128x16xf32, #tpu.memory_space<vmem>> -> memref<1x128x16xf32, #tpu.memory_space<vmem>>
    %dma_wait3A_332 = tpu.memref_squeeze %dma_wait3A_331 : memref<1x128x16xf32, #tpu.memory_space<vmem>> -> memref<128x16xf32, #tpu.memory_space<vmem>>
    %dma_wait3A_333 = arith.constant 0 : i32
    %dma_wait3A_334 = tpu.memref_slice %arg9[%dma_wait3A_333] : memref<10112xi32, #tpu.memory_space<vmem>> -> memref<128xi32, #tpu.memory_space<vmem>>
    %dma_wait3A_335 = arith.constant 0 : i32
    %dma_wait3A_336 = arith.constant 0 : i32
    %dma_wait3A_337 = tpu.memref_slice %arg6[%dma_wait3A_335, %dma_wait3A_336] : memref<10240x16xf32, #tpu.memory_space<vmem_shared>> -> memref<10240x16xf32, #tpu.memory_space<vmem_shared>>
    %dma_wait3A_338 = tpu.memref_slice %arg14[%dma_wait3A_328] : memref<12x!tpu.dma_semaphore, #tpu.memory_space<semaphore_mem>> -> memref<1x!tpu.dma_semaphore, #tpu.memory_space<semaphore_mem>>
    %dma_wait3A_339 = tpu.memref_squeeze %dma_wait3A_338 : memref<1x!tpu.dma_semaphore, #tpu.memory_space<semaphore_mem>> -> memref<!tpu.dma_semaphore, #tpu.memory_space<semaphore_mem>>
    tpu.wait_indirect_dma semaphore(%dma_wait3A_339 : memref<!tpu.dma_semaphore, #tpu.memory_space<semaphore_mem>>) src(%dma_wait3A_332 : memref<128x16xf32, #tpu.memory_space<vmem>>) dst(%dma_wait3A_337 : memref<10240x16xf32, #tpu.memory_space<vmem_shared>>)
    %barrier3A_340 = arith.constant 0 : index
    tpu.barrier barrier_id(%barrier3A_340)
    %mul3A_341 = arith.constant 640 : i32
    %mul3A_342 = arith.muli %arg1, %mul3A_341 : i32
    "tpu.region"() ({
      %run_scoped3A = tpu.sem_alloc : memref<!tpu.dma_semaphore, #tpu.memory_space<semaphore_mem>>
      %dma_start3A_343 = arith.constant 0 : i32
      %dma_start3A_344 = tpu.memref_slice %arg4[%arg0, %mul3A_342, %dma_start3A_343] : memref<2x10240x16xf32, #tpu.memory_space<hbm>> -> memref<1x640x16xf32, #tpu.memory_space<hbm>>
      %dma_start3A_345 = tpu.memref_squeeze %dma_start3A_344 : memref<1x640x16xf32, #tpu.memory_space<hbm>> -> memref<640x16xf32, #tpu.memory_space<hbm>>
      %dma_start3A_346 = arith.constant 0 : i32
      %dma_start3A_347 = tpu.memref_slice %arg6[%mul3A_342, %dma_start3A_346] : memref<10240x16xf32, #tpu.memory_space<vmem_shared>> -> memref<640x16xf32, #tpu.memory_space<vmem_shared>>
      tpu.enqueue_dma source(%dma_start3A_347 : memref<640x16xf32, #tpu.memory_space<vmem_shared>>) target(%dma_start3A_345 : memref<640x16xf32, #tpu.memory_space<hbm>>) target_semaphore(%run_scoped3A : memref<!tpu.dma_semaphore, #tpu.memory_space<semaphore_mem>>)
      %dma_wait3A_348 = arith.constant 0 : i32
      %dma_wait3A_349 = tpu.memref_slice %arg4[%arg0, %mul3A_342, %dma_wait3A_348] : memref<2x10240x16xf32, #tpu.memory_space<hbm>> -> memref<1x640x16xf32, #tpu.memory_space<hbm>>
      %dma_wait3A_350 = tpu.memref_squeeze %dma_wait3A_349 : memref<1x640x16xf32, #tpu.memory_space<hbm>> -> memref<640x16xf32, #tpu.memory_space<hbm>>
      %dma_wait3A_351 = arith.constant 0 : i32
      %dma_wait3A_352 = tpu.memref_slice %arg6[%mul3A_342, %dma_wait3A_351] : memref<10240x16xf32, #tpu.memory_space<vmem_shared>> -> memref<640x16xf32, #tpu.memory_space<vmem_shared>>
      tpu.wait_dma2 semaphore(%run_scoped3A : memref<!tpu.dma_semaphore, #tpu.memory_space<semaphore_mem>>) src(%dma_wait3A_352 : memref<640x16xf32, #tpu.memory_space<vmem_shared>>) dst(%dma_wait3A_350 : memref<640x16xf32, #tpu.memory_space<hbm>>)
      tpu.yield
    }) : () -> ()
    "tpu.region"() ({
      %run_scoped3A = tpu.sem_alloc : memref<!tpu.dma_semaphore, #tpu.memory_space<semaphore_mem>>
      %dma_start3A_343 = arith.constant 0 : i32
      %dma_start3A_344 = tpu.memref_slice %arg5[%arg0, %mul3A_342, %dma_start3A_343] : memref<2x10240x16xf32, #tpu.memory_space<hbm>> -> memref<1x640x16xf32, #tpu.memory_space<hbm>>
      %dma_start3A_345 = tpu.memref_squeeze %dma_start3A_344 : memref<1x640x16xf32, #tpu.memory_space<hbm>> -> memref<640x16xf32, #tpu.memory_space<hbm>>
      %dma_start3A_346 = arith.constant 0 : i32
      %dma_start3A_347 = tpu.memref_slice %arg7[%mul3A_342, %dma_start3A_346] : memref<10240x16xf32, #tpu.memory_space<vmem_shared>> -> memref<640x16xf32, #tpu.memory_space<vmem_shared>>
      tpu.enqueue_dma source(%dma_start3A_347 : memref<640x16xf32, #tpu.memory_space<vmem_shared>>) target(%dma_start3A_345 : memref<640x16xf32, #tpu.memory_space<hbm>>) target_semaphore(%run_scoped3A : memref<!tpu.dma_semaphore, #tpu.memory_space<semaphore_mem>>)
      %dma_wait3A_348 = arith.constant 0 : i32
      %dma_wait3A_349 = tpu.memref_slice %arg5[%arg0, %mul3A_342, %dma_wait3A_348] : memref<2x10240x16xf32, #tpu.memory_space<hbm>> -> memref<1x640x16xf32, #tpu.memory_space<hbm>>
      %dma_wait3A_350 = tpu.memref_squeeze %dma_wait3A_349 : memref<1x640x16xf32, #tpu.memory_space<hbm>> -> memref<640x16xf32, #tpu.memory_space<hbm>>
      %dma_wait3A_351 = arith.constant 0 : i32
      %dma_wait3A_352 = tpu.memref_slice %arg7[%mul3A_342, %dma_wait3A_351] : memref<10240x16xf32, #tpu.memory_space<vmem_shared>> -> memref<640x16xf32, #tpu.memory_space<vmem_shared>>
      tpu.wait_dma2 semaphore(%run_scoped3A : memref<!tpu.dma_semaphore, #tpu.memory_space<semaphore_mem>>) src(%dma_wait3A_352 : memref<640x16xf32, #tpu.memory_space<vmem_shared>>) dst(%dma_wait3A_350 : memref<640x16xf32, #tpu.memory_space<hbm>>)
      tpu.yield
    }) : () -> ()
    return
  }
}

module attributes {stable_mosaic.version = 14 : i64} {
  func.func @body(%arg0: memref<1250x1024xf32, #tpu.memory_space<vmem>>, %arg1: memref<1024x128xf32, #tpu.memory_space<vmem>>, %arg2: memref<1024x128xf32, #tpu.memory_space<vmem>>, %arg3: memref<1x128xf32, #tpu.memory_space<vmem>>, %arg4: memref<1250x128xf32, #tpu.memory_space<vmem>>, %arg5: memref<1250x128xf32, #tpu.memory_space<vmem>>) attributes {dimension_semantics = [], scalar_prefetch = 0 : i64, scratch_operands = 0 : i64, tpu.core_type = #tpu.core_type<tc>} {
    %get3A = arith.constant 0 : index
    %get3A_0 = arith.constant 0 : index
    %get3A_1 = vector.load %arg0[%get3A, %get3A_0] : memref<1250x1024xf32, #tpu.memory_space<vmem>>, vector<1250x1024xf32>
    %get3A_2 = arith.constant 0 : index
    %get3A_3 = arith.constant 0 : index
    %get3A_4 = vector.load %arg1[%get3A_2, %get3A_3] : memref<1024x128xf32, #tpu.memory_space<vmem>>, vector<1024x128xf32>
    %dot_general3A = arith.constant dense<0.000000e+00> : vector<1250x128xf32>
    %dot_general3A_5 = tpu.matmul %get3A_1, %get3A_4, %dot_general3A {dimension_numbers = #tpu.dot_dimension_numbers<[1], [0], [0], [1], [0, 0, 1, 1], [], []>, transpose_lhs_hint = false} : vector<1250x1024xf32>, vector<1024x128xf32>, vector<1250x128xf32> -> vector<1250x128xf32>
    %swap3A = arith.constant 0 : index
    %swap3A_6 = arith.constant 0 : index
    %swap3A_7 = vector.load %arg4[%swap3A, %swap3A_6] : memref<1250x128xf32, #tpu.memory_space<vmem>>, vector<1250x128xf32>
    tpu.vector_store %arg4[%swap3A, %swap3A_6], %dot_general3A_5 {strides = array<i32>} : memref<1250x128xf32, #tpu.memory_space<vmem>>, vector<1250x128xf32>,
    %get3A_8 = arith.constant 0 : index
    %get3A_9 = arith.constant 0 : index
    %get3A_10 = vector.load %arg2[%get3A_8, %get3A_9] : memref<1024x128xf32, #tpu.memory_space<vmem>>, vector<1024x128xf32>
    %dot_general3A_11 = arith.constant dense<0.000000e+00> : vector<1250x128xf32>
    %dot_general3A_12 = tpu.matmul %get3A_1, %get3A_10, %dot_general3A_11 {dimension_numbers = #tpu.dot_dimension_numbers<[1], [0], [0], [1], [0, 0, 1, 1], [], []>, transpose_lhs_hint = false} : vector<1250x1024xf32>, vector<1024x128xf32>, vector<1250x128xf32> -> vector<1250x128xf32>
    %get3A_13 = arith.constant 0 : index
    %get3A_14 = arith.constant 0 : index
    %get3A_15 = vector.load %arg3[%get3A_13, %get3A_14] : memref<1x128xf32, #tpu.memory_space<vmem>>, vector<1x128xf32>
    %add3A = vector.broadcast %get3A_15 : vector<1x128xf32> to vector<1250x128xf32>
    %add3A_16 = arith.addf %dot_general3A_12, %add3A : vector<1250x128xf32>
    %swap3A_17 = arith.constant 0 : index
    %swap3A_18 = arith.constant 0 : index
    %swap3A_19 = vector.load %arg5[%swap3A_17, %swap3A_18] : memref<1250x128xf32, #tpu.memory_space<vmem>>, vector<1250x128xf32>
    tpu.vector_store %arg5[%swap3A_17, %swap3A_18], %add3A_16 {strides = array<i32>} : memref<1250x128xf32, #tpu.memory_space<vmem>>, vector<1250x128xf32>,
    return
  }
}

module attributes {stable_mosaic.version = 14 : i64} {
  func.func @body(%arg0: memref<2x1280x128xf32, #tpu.memory_space<vmem>>, %arg1: memref<2x1280x128xf32, #tpu.memory_space<vmem>>, %arg2: memref<1250x128xf32, #tpu.memory_space<vmem>>, %arg3: memref<128x128xf32, #tpu.memory_space<vmem>>, %arg4: memref<1x128xf32, #tpu.memory_space<vmem>>, %arg5: memref<1250x128xf32, #tpu.memory_space<vmem>>) attributes {dimension_semantics = [], scalar_prefetch = 0 : i64, scratch_operands = 0 : i64, tpu.core_type = #tpu.core_type<tc>} {
    %get3A = arith.constant 0 : index
    %get3A_0 = arith.constant 0 : index
    %get3A_1 = arith.constant 0 : index
    %get3A_2 = vector.load %arg0[%get3A, %get3A_0, %get3A_1] : memref<2x1280x128xf32, #tpu.memory_space<vmem>>, vector<1x1280x128xf32>
    %get3A_3 = vector.shape_cast %get3A_2 : vector<1x1280x128xf32> to vector<1280x128xf32>
    %get3A_4 = arith.constant 1 : index
    %get3A_5 = arith.constant 0 : index
    %get3A_6 = arith.constant 0 : index
    %get3A_7 = vector.load %arg0[%get3A_4, %get3A_5, %get3A_6] : memref<2x1280x128xf32, #tpu.memory_space<vmem>>, vector<1x1280x128xf32>
    %get3A_8 = vector.shape_cast %get3A_7 : vector<1x1280x128xf32> to vector<1280x128xf32>
    %add3A = arith.addf %get3A_3, %get3A_8 : vector<1280x128xf32>
    %get3A_9 = arith.constant 0 : index
    %get3A_10 = arith.constant 0 : index
    %get3A_11 = arith.constant 0 : index
    %get3A_12 = vector.load %arg1[%get3A_9, %get3A_10, %get3A_11] : memref<2x1280x128xf32, #tpu.memory_space<vmem>>, vector<1x1280x128xf32>
    %get3A_13 = vector.shape_cast %get3A_12 : vector<1x1280x128xf32> to vector<1280x128xf32>
    %get3A_14 = arith.constant 1 : index
    %get3A_15 = arith.constant 0 : index
    %get3A_16 = arith.constant 0 : index
    %get3A_17 = vector.load %arg1[%get3A_14, %get3A_15, %get3A_16] : memref<2x1280x128xf32, #tpu.memory_space<vmem>>, vector<1x1280x128xf32>
    %get3A_18 = vector.shape_cast %get3A_17 : vector<1x1280x128xf32> to vector<1280x128xf32>
    %add3A_19 = arith.addf %get3A_13, %get3A_18 : vector<1280x128xf32>
    %slice3A = vector.extract_strided_slice %add3A {offsets = [0, 0], sizes = [1250, 128], strides = [1, 1]} : vector<1280x128xf32> to vector<1250x128xf32>
    %slice3A_20 = vector.extract_strided_slice %add3A_19 {offsets = [0, 0], sizes = [1250, 128], strides = [1, 1]} : vector<1280x128xf32> to vector<1250x128xf32>
    %max3A = arith.constant 1.000000e+00 : f32
    %max3A_21 = vector.broadcast %max3A : f32 to vector<1250x128xf32>
    %max3A_22 = arith.maximumf %slice3A_20, %max3A_21 : vector<1250x128xf32>
    %div3A = arith.divf %slice3A, %max3A_22 : vector<1250x128xf32>
    %get3A_23 = arith.constant 0 : index
    %get3A_24 = arith.constant 0 : index
    %get3A_25 = vector.load %arg2[%get3A_23, %get3A_24] : memref<1250x128xf32, #tpu.memory_space<vmem>>, vector<1250x128xf32>
    %add3A_26 = arith.addf %div3A, %get3A_25 : vector<1250x128xf32>
    %max3A_27 = arith.constant 0.000000e+00 : f32
    %max3A_28 = vector.broadcast %max3A_27 : f32 to vector<1250x128xf32>
    %max3A_29 = arith.maximumf %add3A_26, %max3A_28 : vector<1250x128xf32>
    %get3A_30 = arith.constant 0 : index
    %get3A_31 = arith.constant 0 : index
    %get3A_32 = vector.load %arg3[%get3A_30, %get3A_31] : memref<128x128xf32, #tpu.memory_space<vmem>>, vector<128x128xf32>
    %dot_general3A = arith.constant dense<0.000000e+00> : vector<1250x128xf32>
    %dot_general3A_33 = tpu.matmul %max3A_29, %get3A_32, %dot_general3A {dimension_numbers = #tpu.dot_dimension_numbers<[1], [0], [0], [1], [0, 0, 1, 1], [], []>, transpose_lhs_hint = false} : vector<1250x128xf32>, vector<128x128xf32>, vector<1250x128xf32> -> vector<1250x128xf32>
    %get3A_34 = arith.constant 0 : index
    %get3A_35 = arith.constant 0 : index
    %get3A_36 = vector.load %arg4[%get3A_34, %get3A_35] : memref<1x128xf32, #tpu.memory_space<vmem>>, vector<1x128xf32>
    %add3A_37 = vector.broadcast %get3A_36 : vector<1x128xf32> to vector<1250x128xf32>
    %add3A_38 = arith.addf %dot_general3A_33, %add3A_37 : vector<1250x128xf32>
    %swap3A = arith.constant 0 : index
    %swap3A_39 = arith.constant 0 : index
    %swap3A_40 = vector.load %arg5[%swap3A, %swap3A_39] : memref<1250x128xf32, #tpu.memory_space<vmem>>, vector<1250x128xf32>
    tpu.vector_store %arg5[%swap3A, %swap3A_39], %add3A_38 {strides = array<i32>} : memref<1250x128xf32, #tpu.memory_space<vmem>>, vector<1250x128xf32>,
    return
  }
}

</mosaic_0001>

<sc_bundles>
// kernel: kernel.5.cloned.1.call-start
scs
__scs_entry_jumppad:
0x0: {  	(pc) =	sbr.rel $0x88, $3  }
0x1: {  	(tag) =	ssettag $0x0;
	lr =	simm.s32 $0x1  }
0x2: {  	[smem:$0x3F9A] =	sst lr;
	_ =	strace $0xD0000000  }
0x3: {  	_ = 	snop  }
0x4: {  	_ = 	snop  }
0x5: {  	_ = 	snop  }
0x6: {  	_ = 	snop  }
0x7: {  	_ = 	snop  }
__scs_overlays_trampoline_lowered:
0x8: {  	[smem:$0x3FA9] =	sst s0  }
0x9: {  	[smem:$0x3FAA] =	sst s1  }
0xa: {  	[smem:$0x3FAB] =	sst s2  }
0xb: {  	[smem:$0x3FAC] =	sst s3  }
0xc: {  	[smem:$0x3FAD] =	sst s4  }
0xd: {  	[smem:$0x3FAE] =	sst s5  }
0xe: {  	[smem:$0x3FAF] =	sst s6  }
0xf: {  	[smem:$0x3FB0] =	sst s7  }
0x10: {  	[smem:$0x3FB1] =	sst s8  }
0x11: {  	[smem:$0x3FB2] =	sst s9;
	s0 =	simm.s32 @!p0 $0x0  }
0x12: {  	s1 =	sld [smem:$0x3F98];
	s0 =	simm.s32 @p0 $0x1  }
0x13: {  	[smem:$0x3FB3] =	sst s0;
	s0 =	simm.s32 @!p1 $0x0  }
0x14: {  	s2 =	sld [smem:$0x3F97];
	s0 =	simm.s32 @p1 $0x1  }
0x15: {  	[smem:$0x3FB4] =	sst s0;
	s0 =	simm.s32 @!p2 $0x0  }
0x16: {  	s3 =	sld [smem:$0x3FDB];
	s0 =	simm.s32 @p2 $0x1  }
0x17: {  	s4 =	simm.s32 $0x1BF5;
	[smem:$0x3FB6] =	sst s0  }
0x18: {  	s0 =	sld [smem:$0x3F99];
	_ =	swait.ge [sflag:s4], $0x0  }
0x19: {  	s7 =	sld [smem:$0x3F9A]  }
0x1a: {  	s8 =	sadd.s32 $0xFFFFE003, lr  }
0x1b: {  	s9 =	sadd.s32 $0xFFFFFEF7, lr;
	s5 =	simm.s32 $0xFFFFFFFF;
	p2 =	slt.u32 s8, $0xFFFFF086  }
0x1c: {  	p1 =	slt.u32 s9, $0xF7A;
	s5 =	simm.s32 @!p2 $0x0  }
0x1d: {  	s5 =	simm.s32 @p1 $0x1;
	p0 =	seq.s32 s7, s2  }
0x1e: {  	s7 =	smul.u32 @!p0 $0xF7A, s2;
	p2 =	seq.s32 @!p0 s5, $0x0  }
0x1f: {  	s9 =	smul.u32 $0xF7A, s1;
	s8 =	simm.s32 @!p0 $0x1BF5;
	p2 =	por !p2, p0  }
0x20: {  	[sflag:s8] =	ssyncset.s32 @!p0 $0xFFFFF086;
	s6 =	sadd.s32 @!p0 s3, s7;
	s7 =	simm.s32 @!p0 $0x108  }
0x21: {  	s3 =	sadd.s32 s3, s9;
	s6 =	sadd.s32 @!p0 $0x88, s6;
	s7 =	simm.s32 @p2 $0x1082  }
0x22: {  	[simem:s7], [sflag:s8] =	dma.local @!p0 [hbm:s6], $0xF7A  }
0x23: {  	s9 =	sor.u32 $0xD0000000, s2;
	s6 =	simm.s32 $0x108;
	_ =	swait.ge @!p0 [sflag:s8], $0x0  }
0x24: {  	s3 =	sadd.s32 $0x88, s3;
	s6 =	simm.s32 @!p1 $0x1082;
	[sflag:s4] =	ssyncset.s32 $0xFFFFF086  }
0x25: {  	[simem:s6], [sflag:s4] =	dma.local [hbm:s3], $0xF7A  }
0x26: {  	[smem:$0x3F9A] =	sst s1;
	(tag) =	ssettag s2;
	_ =	strace s9  }
0x27: {  	s1 =	sld [smem:$0x3FAA]  }
0x28: {  	s2 =	sld [smem:$0x3FAB]  }
0x29: {  	s4 =	sld [smem:$0x3FAD]  }
0x2a: {  	p0 =	seq.s32 s5, $0x0;
	s5 =	sld [smem:$0x3FAE]  }
0x2b: {  	s6 =	sld [smem:$0x3FAF]  }
0x2c: {  	s7 =	sld [smem:$0x3FB0]  }
0x2d: {  	s3 =	simm.s32 $0x108;
	s8 =	sld [smem:$0x3FB1]  }
0x2e: {  	s3 =	simm.s32 @!p0 $0x1082;
	s9 =	sld [smem:$0x3FB2]  }
0x2f: {  	lr =	sadd.s32 s0, s3;
	s0 =	sld [smem:$0x3FA9]  }
0x30: {  	s3 =	sld [smem:$0x3FAC]  }
0x31: {  	[smem:$0x3FB5] =	sst s10  }
0x32: {  	s10 =	sld [smem:$0x3FB3];
	_ =	sdelay $0x3  }
0x33: {  	p0 =	seq.s32 s10, $0x1;
	s10 =	sld [smem:$0x3FB5];
	_ =	sdelay $0x3  }
0x34: {  	[smem:$0x3FB5] =	sst s10  }
0x35: {  	s10 =	sld [smem:$0x3FB4];
	_ =	sdelay $0x3  }
0x36: {  	p1 =	seq.s32 s10, $0x1;
	s10 =	sld [smem:$0x3FB5];
	_ =	sdelay $0x3  }
0x37: {  	[smem:$0x3FB5] =	sst s10  }
0x38: {  	s10 =	sld [smem:$0x3FB6]  }
0x39: {  	_ = 	snop;
	(pc) =	sbr.ind lr, $3  }
0x3a: {  	_ = 	snop  }
0x3b: {  	_ = 	snop  }
0x3c: {  	p2 =	seq.s32 s10, $0x1;
	s10 =	sld [smem:$0x3FB5]  }
0x3d: {  	_ =	shalt  }
0x3e: {  	_ =	shalt  }
0x3f: {  	_ =	shalt  }
0x40: {  	_ =	shalt  }
0x41: {  	_ =	shalt  }
0x42: {  	_ =	shalt  }
0x43: {  	_ =	shalt  }
0x44: {  	_ =	shalt  }
0x45: {  	_ =	shalt  }
0x46: {  	_ =	shalt  }
0x47: {  	_ =	shalt  }
0x48: {  	_ =	shalt  }
0x49: {  	_ =	shalt  }
0x4a: {  	_ =	shalt  }
0x4b: {  	_ =	shalt  }
0x4c: {  	_ =	shalt  }
0x4d: {  	_ =	shalt  }
0x4e: {  	_ =	shalt  }
0x4f: {  	_ =	shalt  }
0x50: {  	_ =	shalt  }
0x51: {  	_ =	shalt  }
0x52: {  	_ =	shalt  }
0x53: {  	_ =	shalt  }
0x54: {  	_ =	shalt  }
0x55: {  	_ =	shalt  }
0x56: {  	_ =	shalt  }
0x57: {  	_ =	shalt  }
0x58: {  	_ =	shalt  }
0x59: {  	_ =	shalt  }
0x5a: {  	_ =	shalt  }
0x5b: {  	_ =	shalt  }
0x5c: {  	_ =	shalt  }
0x5d: {  	_ =	shalt  }
0x5e: {  	_ =	shalt  }
0x5f: {  	_ =	shalt  }
0x60: {  	_ =	shalt  }
0x61: {  	_ =	shalt  }
0x62: {  	_ =	shalt  }
0x63: {  	_ =	shalt  }
0x64: {  	_ =	shalt  }
0x65: {  	_ =	shalt  }
0x66: {  	_ =	shalt  }
0x67: {  	_ =	shalt  }
0x68: {  	_ =	shalt  }
0x69: {  	_ =	shalt  }
0x6a: {  	_ =	shalt  }
0x6b: {  	_ =	shalt  }
0x6c: {  	_ =	shalt  }
0x6d: {  	_ =	shalt  }
0x6e: {  	_ =	shalt  }
0x6f: {  	_ =	shalt  }
0x70: {  	_ =	shalt  }
0x71: {  	_ =	shalt  }
0x72: {  	_ =	shalt  }
0x73: {  	_ =	shalt  }
0x74: {  	_ =	shalt  }
0x75: {  	_ =	shalt  }
0x76: {  	_ =	shalt  }
0x77: {  	_ =	shalt  }
0x78: {  	_ =	shalt  }
0x79: {  	_ =	shalt  }
0x7a: {  	_ =	shalt  }
0x7b: {  	_ =	shalt  }
0x7c: {  	_ =	shalt  }
0x7d: {  	_ =	shalt  }
0x7e: {  	_ =	shalt  }
0x7f: {  	_ =	shalt  }
0x80: {  	_ =	shalt  }
0x81: {  	_ =	shalt  }
0x82: {  	_ =	shalt  }
0x83: {  	_ =	shalt  }
0x84: {  	_ =	shalt  }
0x85: {  	_ =	shalt  }
0x86: {  	_ =	shalt  }
0x87: {  	_ =	shalt  }
.Lfunc_end0:
.L_simem_size_0:
called_computation_lowered:
.L_overlay_start_0:
0x88: {  	s2 =	sld [smem:$0x3FD9]  }
0x89: {  	s3 =	sld [smem:$0x3FFE];
	_ =	sdelay $0x1  }
0x8a: {  	s1 =	srdreg.scid  }
0x8b: {  	s0 =	sand.u32 $0x1, s1  }
0x8c: {  	s17 =	sshll.u32 s0, $0xA;
	s2 =	sadd.s32 s3, s2  }
0x8d: {  	s2 =	sadd.s32 s2, s17  }
0x8e: {  	[smem:$0x3FC1] =	sst s2  }
0x8f: {  	_ = 	snop  }
0x90: {  	s2 =	sld [smem:$0x3FD0];
	(tm) =	ssettm $0x1  }
0x91: {  	s18 =	sld [smem:$0x3FFB];
	_ =	sdelay $0x3  }
0x92: {  	_ =	strace s18  }
0x93: {  	s3 =	sld [smem:$0x3FFC];
	_ =	sdelay $0x3  }
0x94: {  	_ =	strace s3  }
0x95: {  	s3 =	sld [smem:$0x3FFD];
	_ =	sdelay $0x3  }
0x96: {  	_ =	strace s3  }
0x97: {  	_ =	strace $0x8FFFFFFF  }
0x98: {  	s19 =	sld [smem:$0x3FDB];
	_ =	sdelay $0x1  }
0x99: {  	s4 =	simm.s32 $_scs_section_size  }
0x9a: {  	s5 =	simm.s32 $_size__tile_overlayer_lowered;
	s6 =	simm.s32 $_tile_overlayer_lowered  }
0x9b: {  	s22 =	simm.s32 $0x1BFF;
	s21 =	sshll.u32 s6, $0x1;
	s3 =	sadd.s32 s4, s19  }
0x9c: {  	s7 =	simm.s32 $0x0;
	s20 =	sshll.u32 s5, $0x1;
	s5 =	sadd.s32 s21, s3  }
0x9d: {  	[timem:s7], [sflag:s22] =	dma.local [hbm:s5], s20  }
0x9e: {  	_ =	swait.ge [sflag:s22], s20  }
0x9f: {  	s4 =	ssub.s32 $0x0, s20;
	[sflag:s22] =	ssyncset.done $0x0  }
0xa0: {  	[sflag:s22] =	ssyncadd.s32 s4;
	_ =	sdelay $0x1  }
0xa1: {  	s23 =	simm.s32 $0x1B8B  }
0xa2: {  	_ =	swait.ge [sflag:s23], $0x1  }
0xa3: {  	[sflag:s23] =	ssyncset.done $0x0  }
0xa4: {  	s25 =	simm.s32 $0x1B8E;
	s24 =	sld [smem:$0x3FFE];
	[sflag:s23] =	ssyncadd.s32 $0xFFFFFFFF  }
0xa5: {  	s26 =	simm.s32 $execute0_lowered;
	[smem:$0x3FD2] =	sst s25  }
0xa6: {  	s5 =	sshll.u32 s26, $0x1;
	_ =	strace $0x80000046;
	[dreg:$0x1] =	wrdreg $0xFFFFFFFF  }
0xa7: {  	s28 =	simm.s32 $_size_execute0_lowered;
	s3 =	sadd.s32 s3, s5;
	[dreg:$0x0] =	wrdreg $0x0  }
0xa8: {  	s5 =	sshll.u32 s28, $0x1;
	[dreg:$0x2] =	wrdreg s3  }
0xa9: {  	[dreg:$0x3] =	wrdreg s5  }
0xaa: {  	[dreg:$0x4] =	wrdreg $0xC0  }
0xab: {  	_ =	task [dreg:s7], $0x5FFFF  }
0xac: {  	[dreg:$0x1] =	wrdreg $0xFFFFFFFF  }
0xad: {  	[dreg:$0x0] =	wrdreg $0x60  }
0xae: {  	[dreg:$0x2] =	wrdreg s2  }
0xaf: {  	[dreg:$0x3] =	wrdreg s24  }
0xb0: {  	[dreg:$0x4] =	wrdreg $0x0  }
0xb1: {  	[dreg:$0x5] =	wrdreg $0x28000  }
0xb2: {  	[dreg:$0x6] =	wrdreg $0x9  }
0xb3: {  	_ =	task.clear_ibuf [dreg:s7], $0x7FFFF;
	_ =	strace $0x90000046  }
0xb4: {  	s29 =	simm.s32 $0x9;
	_ =	strace $0x80000048  }
0xb5: {  	_ =	swait.ge [sflag:s29], $0x1  }
0xb6: {  	[sflag:s29] =	ssyncadd.s32 $0xFFFFFFFF  }
0xb7: {  	_ =	strace $0x90000048  }
0xb8: {  	_ =	sfence  }
0xb9: {  	s30 =	sld [smem:$0x0];
	_ =	sdelay $0x2  }
0xba: {  	s31 =	sshll.u32 s1, $0xD;
	s1 =	sshrl.u32 s1, $0x2  }
0xbb: {  	s3 =	sand.u32 $0x4000, s31;
	s1 =	sadd.s32 s1, s30  }
0xbc: {  	s0 =	sor.u32 s3, s0;
	s1 =	sshll.u32 s1, $0x11  }
0xbd: {  	s0 =	sor.u32 s1, s0  }
0xbe: {  	s0 =	sadd.s32 $0x8F2B, s0  }
0xbf: {  	[sflag:s0] =	ssyncadd.remote.s32 $0x1  }
0xc0: {  	_ =	sfence.sel $0xFFFF  }
0xc1: {  	[dreg:$0x0] =	wrdreg $0xFFFFFFFF;
	(pc) =	sbr.abs _section_cstart, $3  }
0xc2: {  	[dreg:$0x1] =	wrdreg $0xFFFFFFFF  }
0xc3: {  	_ =	task.clear_ibuf [dreg:s7], $0x2FFFF;
	_ =	strace $0x9FFFFFFF  }
0xc4: {  	(tm) =	ssettm $0x7FFFFFFF  }
0xc5: {  	_ =	shalt  }
tec
execute0_lowered:
.L_overlay_start_1:
0x0: {  	(tag) =	ssettag $0x1  }
0x1: {  	s0 =	rddreg [dreg:$0x0]  }
0x2: {  	s1 =	rddreg [dreg:$0x1]  }
0x3: {  	s3 =	rddreg [dreg:$0x2];
	s2 =	srdreg.scid  }
0x4: {  	s4 =	rddreg [dreg:$0x3];
	s8 =	stileid.u32;
	s9 =	simm.s32 $0x0  }
0x5: {  	s28 =	simm.s32 $0x9F00;
	s29 =	simm.s32 $0x1B;
	s30 =	simm.s32 $0x1  }
0x6: {  	s31 =	simm.s32 $0x80;
	s2 =	sand.u32 $0x1, s2;
	s5 =	smul.u32 $0x2800, s8  }
0x7: {  	[smem:$0x7FF] =	sst s9;
	s10 =	sadd.s32 $0x1C00, s1;
	s6 =	sshll.u32 s2, $0x4  }
0x8: {  	s7 =	smul.u32 $0x28000, s2;
	_ =	strace $0x80000047;
	s2 =	ssub.s32 $0x2, s2  }
0x9: {  	s8 =	sor.u32 s8, s6;
	s12 =	sshrl.u32 s2, $0x1;
	s18 =	sadd.s32 $0x800, s5  }
0xa: {  	s20 =	sadd.s32 $0x1000, s5;
	s22 =	sadd.s32 $0x1800, s5;
	s6 =	smul.u32 $0x4E, s8  }
0xb: {  	s24 =	sadd.s32 $0x2000, s5;
	s9 =	smul.u32 $0x4F, s8;
	s7 =	sadd.s32 s5, s7  }
0xc: {  	p0 =	slt.u32 s8, $0x4;
	s2 =	ssub.s32 s2, s12;
	s19 =	sadd.s32 s18, s3  }
0xd: {  	s12 =	sadd.s32 s5, s3;
	s21 =	sadd.s32 s20, s3;
	[dreg:$0xc] =	wrdreg s19  }
0xe: {  	s23 =	sadd.s32 s22, s3;
	s25 =	sadd.s32 s24, s3;
	[dreg:$0xe] =	wrdreg s21  }
0xf: {  	s7 =	sshrl.u32 s7, $0x3;
	s2 =	smax.u32 s2, $0x1;
	[dreg:$0x10] =	wrdreg s23  }
0x10: {  	[dreg:$0x12] =	wrdreg s25;
	s19 =	simm.s32 $0x0;
	s6 =	sadd.s32 $0x4, s6  }
0x11: {  	s1 =	sadd.s32 s7, s1;
	[dreg:$0xb] =	wrdreg s2;
	s2 =	sadd.s32 s20, s4  }
0x12: {  	s6 =	smov.u32 @p0 s9;
	s17 =	sadd.s32 $0x15600, s1;
	s1 =	sadd.s32 $0x1F600, s1  }
0x13: {  	[dreg:$0xf] =	wrdreg s2;
	s9 =	simm.s32 $0x5000;
	s2 =	simm.s32 $0xFF00  }
0x14: {  	s26 =	sshll.u32 s6, $0x4;
	s6 =	simm.s32 $0x4F;
	[dreg:$0x9] =	wrdreg s17  }
0x15: {  	[dreg:$0xa] =	wrdreg s1;
	s1 =	sadd.s32 s18, s4;
	s17 =	simm.s32 $0x18  }
0x16: {  	s18 =	simm.s32 $0x19;
	s7 =	sadd.s32 s10, s26;
	[dreg:$0xd] =	wrdreg s1  }
0x17: {  	s11 =	sand.u32 $0x1FFFFFF0, s26;
	s1 =	sadd.s32 s22, s4;
	[dreg:$0x5] =	wrdreg s7  }
0x18: {  	s26 =	sadd.s32 s24, s4;
	s13 =	sadd.s32 s10, s11;
	[dreg:$0x11] =	wrdreg s1  }
.Ltmp0:
0x19: {  	[dreg:$0x13] =	wrdreg s26;
	s14 =	sadd.s32 $0x9C40, s13;
	(pc) =	sbr.rel .LBB2_1-.Ltmp0, $4  }
0x1a: {  	s6 =	simm.s32 @!p0 $0x4E;
	s15 =	sadd.s32 $0x4E0, s13;
	[dreg:$0x6] =	wrdreg s14  }
0x1b: {  	p0 =	sgt.u32 s8, $0x3;
	s16 =	sadd.s32 $0xA120, s13;
	[dreg:$0x7] =	wrdreg s15  }
0x1c: {  	s24 =	sshll.u32 s6, $0x2;
	s26 =	simm.s32 $0x1A;
	[dreg:$0x8] =	wrdreg s16  }
0x1d: {  	v0 =	vimm.f32 $0.0e+00;
	v1 =	vimm.f32 $1.000000000e+00;
	s14 =	sadd.s32 s5, s4;
	s15 =	simm.s32 $0x16;
	s16 =	simm.s32 $0x17  }
.LBB2_10:
0x1e: {  	_ =	swait.ge [sflag:s26], $0x800  }
0x1f: {  	[sflag:s26] =	ssyncset.done $0x0  }
0x20: {  	[sflag:s26] =	ssyncadd.s32 $0xFFFFF800  }
0x21: {  	_ =	swait.ge [sflag:s26], $0x800  }
0x22: {  	[sflag:s26] =	ssyncset.done $0x0  }
0x23: {  	[sflag:s26] =	ssyncadd.s32 $0xFFFFF800  }
0x24: {  	_ =	swait.ge [sflag:s26], $0x800  }
0x25: {  	[sflag:s26] =	ssyncset.done $0x0  }
0x26: {  	[sflag:s26] =	ssyncadd.s32 $0xFFFFF800  }
0x27: {  	_ =	swait.ge [sflag:s26], $0x800  }
0x28: {  	[sflag:s26] =	ssyncset.done $0x0  }
0x29: {  	[sflag:s26] =	ssyncadd.s32 $0xFFFFF800  }
0x2a: {  	_ =	swait.ge [sflag:s26], $0x800  }
0x2b: {  	[sflag:s26] =	ssyncset.done $0x0  }
0x2c: {  	[sflag:s26] =	ssyncadd.s32 $0xFFFFF800  }
0x2d: {  	_ =	swait.ge [sflag:s26], $0x800  }
0x2e: {  	[sflag:s26] =	ssyncset.done $0x0  }
0x2f: {  	s1 =	simm.s32 $0xE;
	[sflag:s26] =	ssyncadd.s32 $0xFFFFF800  }
0x30: {  	_ =	swait.ge [sflag:s1], $0x800  }
0x31: {  	[sflag:s1] =	ssyncset.done $0x0  }
0x32: {  	s7 =	simm.s32 $0xF;
	[sflag:s1] =	ssyncadd.s32 $0xFFFFF800  }
0x33: {  	_ =	swait.ge [sflag:s7], $0x800  }
0x34: {  	[sflag:s7] =	ssyncset.done $0x0  }
0x35: {  	s8 =	simm.s32 $0x10;
	[sflag:s7] =	ssyncadd.s32 $0xFFFFF800  }
0x36: {  	_ =	swait.ge [sflag:s8], $0x800  }
0x37: {  	[sflag:s8] =	ssyncset.done $0x0  }
0x38: {  	s9 =	simm.s32 $0x11;
	[sflag:s8] =	ssyncadd.s32 $0xFFFFF800  }
0x39: {  	_ =	swait.ge [sflag:s9], $0x800  }
0x3a: {  	[sflag:s9] =	ssyncset.done $0x0  }
0x3b: {  	s10 =	simm.s32 $0x12;
	[sflag:s9] =	ssyncadd.s32 $0xFFFFF800  }
0x3c: {  	_ =	swait.ge [sflag:s10], $0x800  }
0x3d: {  	[sflag:s10] =	ssyncset.done $0x0  }
0x3e: {  	s11 =	simm.s32 $0x13;
	[sflag:s10] =	ssyncadd.s32 $0xFFFFF800  }
0x3f: {  	_ =	swait.ge [sflag:s11], $0x800  }
0x40: {  	[sflag:s11] =	ssyncset.done $0x0  }
0x41: {  	s13 =	simm.s32 $0x14;
	[sflag:s11] =	ssyncadd.s32 $0xFFFFF800  }
0x42: {  	_ =	swait.ge [sflag:s13], $0x800  }
0x43: {  	[sflag:s13] =	ssyncset.done $0x0  }
0x44: {  	s20 =	simm.s32 $0x15;
	[sflag:s13] =	ssyncadd.s32 $0xFFFFF800  }
0x45: {  	_ =	swait.ge [sflag:s20], $0x800  }
0x46: {  	[sflag:s20] =	ssyncset.done $0x0  }
0x47: {  	[sflag:s20] =	ssyncadd.s32 $0xFFFFF800  }
0x48: {  	_ =	swait.ge [sflag:s15], $0x800  }
0x49: {  	[sflag:s15] =	ssyncset.done $0x0  }
0x4a: {  	[sflag:s15] =	ssyncadd.s32 $0xFFFFF800  }
0x4b: {  	_ =	swait.ge [sflag:s16], $0x800  }
0x4c: {  	[sflag:s16] =	ssyncset.done $0x0  }
0x4d: {  	[sflag:s16] =	ssyncadd.s32 $0xFFFFF800  }
0x4e: {  	_ =	swait.ge [sflag:s17], $0x800  }
0x4f: {  	[sflag:s17] =	ssyncset.done $0x0  }
0x50: {  	[sflag:s17] =	ssyncadd.s32 $0xFFFFF800  }
0x51: {  	_ =	swait.ge [sflag:s18], $0x800  }
0x52: {  	[sflag:s18] =	ssyncset.done $0x0  }
0x53: {  	s21 =	stileid.u32;
	[sflag:s18] =	ssyncadd.s32 $0xFFFFF800  }
0x54: {  	s1 =	sshll.u32 s21, $0x6;
	[bflag:$0x0] =	sbarrier.arrive $0xFFFF  }
0x55: {  	s5 =	sshrl.u32 s12, $0x3;
	s1 =	sor.u32 $0x1C1B, s1;
	s7 =	rddreg [dreg:$0x9]  }
0x56: {  	[hbm:s7], [sflag:s1] =	dma.local [spmem:s5], $0x500  }
0x57: {  	_ =	swait.ge [sflag:s29], $0x500  }
0x58: {  	[sflag:s29] =	ssyncset.done $0x0  }
0x59: {  	s22 =	sshrl.u32 s14, $0x3;
	s23 =	rddreg [dreg:$0xa];
	[sflag:s29] =	ssyncadd.s32 $0xFFFFFB00  }
0x5a: {  	[hbm:s23], [sflag:s1] =	dma.local [spmem:s22], $0x500  }
0x5b: {  	_ =	swait.ge [sflag:s29], $0x500  }
0x5c: {  	s19 =	sadd.s32 $0x1, s19;
	s25 =	rddreg [dreg:$0xb]  }
0x5d: {  	p1 =	sne.s32 s19, s25  }
.Ltmp1:
0x5e: {  	_ = 	snop;
	(pc) =	sbr.rel @!p1 .LBB2_11-.Ltmp1, $3  }
0x5f: {  	_ =	sdelay $0x1  }
0x60: {  	[sflag:s29] =	ssyncset.done $0x0  }
0x61: {  	s9 =	simm.s32 $0x5000;
	[sflag:s29] =	ssyncadd.s32 $0xFFFFFB00  }
.LBB2_1:
0x62: {  	s1 =	simm.s32 $0x0;
	s5 =	rddreg [dreg:$0x5]  }
0x63: {  	[tilespmem:s9], [sflag:$0x1] =	stream.linear.gather [hbm4b:s5+s1], $0x2700, $0x38;
	[tilespmem:$0x10700] =	vst v63  }
0x64: {  	s25 =	rddreg [dreg:$0x6];
	s7 =	simm.s32 $0x7780  }
0x65: {  	[tilespmem:s7], [sflag:$0x1] =	stream.linear.gather [hbm4b:s25+s1], $0x2700, $0x38;
	[tilespmem:$0x10700] =	vst v63  }
0x66: {  	s5 =	simm.s32 $0x0;
	s1 =	simm.s32 $0x40  }
.LBB2_2:
0x67: {  	p1 =	sne.s32 s1, $0x1FC0;
	[tilespmem:s5+$0x9F00] =	vst v0;
	s7 =	smov.u32 s1;
	s1 =	sadd.s32 $0x40, s1  }
.Ltmp2:
0x68: {  	[tilespmem:s5+$0xFF00] =	vst v1;
	(pc) =	sbr.rel @p1 .LBB2_2-.Ltmp2, $2  }
0x69: {  	_ =	sdelay $0x2  }
0x6a: {  	s5 =	sshra.s32 s7, $0x2  }
0x6b: {  	[tilespmem:s5+$0x9F00] =	vst v0  }
0x6c: {  	[tilespmem:s5+$0xFF00] =	vst v1  }
0x6d: {  	[spmem:s12] =	stream.linear.scatter [tilespmem:s28], [sflag:$0x1B], $0x800, $0x38;
	[tilespmem:$0x10700] =	vst v63  }
0x6e: {  	_ =	swait.ge [sflag:s29], $0x800  }
0x6f: {  	[sflag:s29] =	ssyncset.done $0x0  }
0x70: {  	[sflag:s29] =	ssyncadd.s32 $0xFFFFF800  }
0x71: {  	[spmem:s14] =	stream.linear.scatter [tilespmem:s28], [sflag:$0x1B], $0x800, $0x38;
	[tilespmem:$0x10700] =	vst v63  }
0x72: {  	_ =	swait.ge [sflag:s29], $0x800  }
0x73: {  	[sflag:s29] =	ssyncset.done $0x0  }
0x74: {  	s1 =	rddreg [dreg:$0xc];
	[sflag:s29] =	ssyncadd.s32 $0xFFFFF800  }
0x75: {  	[spmem:s1] =	stream.linear.scatter [tilespmem:s28], [sflag:$0x1B], $0x800, $0x38;
	[tilespmem:$0x10700] =	vst v63  }
0x76: {  	_ =	swait.ge [sflag:s29], $0x800  }
0x77: {  	[sflag:s29] =	ssyncset.done $0x0  }
0x78: {  	s13 =	rddreg [dreg:$0xd];
	[sflag:s29] =	ssyncadd.s32 $0xFFFFF800  }
0x79: {  	[spmem:s13] =	stream.linear.scatter [tilespmem:s28], [sflag:$0x1B], $0x800, $0x38;
	[tilespmem:$0x10700] =	vst v63  }
0x7a: {  	_ =	swait.ge [sflag:s29], $0x800  }
0x7b: {  	[sflag:s29] =	ssyncset.done $0x0  }
0x7c: {  	s20 =	rddreg [dreg:$0xe];
	[sflag:s29] =	ssyncadd.s32 $0xFFFFF800  }
0x7d: {  	[spmem:s20] =	stream.linear.scatter [tilespmem:s28], [sflag:$0x1B], $0x800, $0x38;
	[tilespmem:$0x10700] =	vst v63  }
0x7e: {  	_ =	swait.ge [sflag:s29], $0x800  }
0x7f: {  	[sflag:s29] =	ssyncset.done $0x0  }
0x80: {  	s21 =	rddreg [dreg:$0xf];
	[sflag:s29] =	ssyncadd.s32 $0xFFFFF800  }
0x81: {  	[spmem:s21] =	stream.linear.scatter [tilespmem:s28], [sflag:$0x1B], $0x800, $0x38;
	[tilespmem:$0x10700] =	vst v63  }
0x82: {  	_ =	swait.ge [sflag:s29], $0x800  }
0x83: {  	[sflag:s29] =	ssyncset.done $0x0  }
0x84: {  	s22 =	rddreg [dreg:$0x10];
	[sflag:s29] =	ssyncadd.s32 $0xFFFFF800  }
0x85: {  	[spmem:s22] =	stream.linear.scatter [tilespmem:s28], [sflag:$0x1B], $0x800, $0x38;
	[tilespmem:$0x10700] =	vst v63  }
0x86: {  	_ =	swait.ge [sflag:s29], $0x800  }
0x87: {  	[sflag:s29] =	ssyncset.done $0x0  }
0x88: {  	s23 =	rddreg [dreg:$0x11];
	[sflag:s29] =	ssyncadd.s32 $0xFFFFF800  }
0x89: {  	[spmem:s23] =	stream.linear.scatter [tilespmem:s28], [sflag:$0x1B], $0x800, $0x38;
	[tilespmem:$0x10700] =	vst v63  }
0x8a: {  	_ =	swait.ge [sflag:s29], $0x800  }
0x8b: {  	[sflag:s29] =	ssyncset.done $0x0  }
0x8c: {  	s25 =	rddreg [dreg:$0x12];
	[sflag:s29] =	ssyncadd.s32 $0xFFFFF800  }
0x8d: {  	[spmem:s25] =	stream.linear.scatter [tilespmem:s28], [sflag:$0x1B], $0x800, $0x38;
	[tilespmem:$0x10700] =	vst v63  }
0x8e: {  	_ =	swait.ge [sflag:s29], $0x800  }
0x8f: {  	[sflag:s29] =	ssyncset.done $0x0  }
0x90: {  	s5 =	rddreg [dreg:$0x13];
	[sflag:s29] =	ssyncadd.s32 $0xFFFFF800  }
0x91: {  	[spmem:s5] =	stream.linear.scatter [tilespmem:s28], [sflag:$0x1B], $0x800, $0x38;
	[tilespmem:$0x10700] =	vst v63  }
0x92: {  	_ =	swait.ge [sflag:s29], $0x800  }
0x93: {  	s1 =	simm.s32 @!p0 $0x0;
	[sflag:s29] =	ssyncset.done $0x0  }
0x94: {  	s5 =	simm.s32 @!p0 $0x7700;
	s7 =	rddreg [dreg:$0x7];
	[sflag:s29] =	ssyncadd.s32 $0xFFFFF800  }
0x95: {  	[tilespmem:s5], [sflag:$0x1B] =	stream.linear.gather @!p0 [hbm4b:s7+s1], $0x80, $0x38;
	[tilespmem:$0x10700] =	vst v63  }
0x96: {  	s5 =	simm.s32 @!p0 $0x1B  }
0x97: {  	_ =	swait.ge @!p0 [sflag:s5], $0x80  }
0x98: {  	[sflag:s5] =	ssyncset.done @!p0 $0x0  }
0x99: {  	s7 =	simm.s32 @!p0 $0x9E80;
	s8 =	rddreg [dreg:$0x8];
	[sflag:s5] =	ssyncadd.s32 @!p0 $0xFFFFFF80  }
0x9a: {  	[tilespmem:s7], [sflag:$0x1B] =	stream.linear.gather @!p0 [hbm4b:s8+s1], $0x80, $0x38;
	[tilespmem:$0x10700] =	vst v63  }
0x9b: {  	_ =	swait.ge @!p0 [sflag:s5], $0x80  }
0x9c: {  	[sflag:s5] =	ssyncset.done @!p0 $0x0  }
0x9d: {  	[sflag:s5] =	ssyncadd.s32 @!p0 $0xFFFFFF80  }
0x9e: {  	_ =	swait.ge [sflag:s30], $0x2700  }
0x9f: {  	[sflag:s30] =	ssyncset.done $0x0  }
0xa0: {  	[sflag:s30] =	ssyncadd.s32 $0xFFFFD900  }
0xa1: {  	_ =	swait.ge [sflag:s30], $0x2700  }
0xa2: {  	[sflag:s30] =	ssyncset.done $0x0  }
0xa3: {  	[sflag:s30] =	ssyncadd.s32 $0xFFFFD900  }
0xa4: {  	s20 =	simm.s32 $0x9F00;
	[bflag:$0x0] =	sbarrier.arrive $0xFFFF  }
0xa5: {  	[tilespmem:s20], [sflag:$0x2] =	stream.indirect.gather [hbm4b:s0+s31], $0x10, s9, s31, $0xb8;
	[tilespmem:$0x10700] =	vst v63  }
0xa6: {  	s7 =	simm.s32 $0x5080;
	s8 =	simm.s32 $0xA700  }
0xa7: {  	[tilespmem:s8], [sflag:$0x3] =	stream.indirect.gather [hbm4b:s0+s31], $0x10, s7, s31, $0xb8;
	[tilespmem:$0x10700] =	vst v63  }
0xa8: {  	s10 =	simm.s32 $0xAF00;
	s11 =	simm.s32 $0x5180;
	s9 =	simm.s32 $0x5100  }
0xa9: {  	[tilespmem:s10], [sflag:$0x4] =	stream.indirect.gather [hbm4b:s0+s31], $0x10, s9, s31, $0xb8;
	[tilespmem:$0x10700] =	vst v63  }
0xaa: {  	s13 =	simm.s32 $0xB700;
	s21 =	simm.s32 $0x5200;
	s22 =	simm.s32 $0xBF00  }
0xab: {  	[tilespmem:s13], [sflag:$0x5] =	stream.indirect.gather [hbm4b:s0+s31], $0x10, s11, s31, $0xb8;
	[tilespmem:$0x10700] =	vst v63  }
.Ltmp3:
0xac: {  	s23 =	simm.s32 $0x5280;
	s25 =	simm.s32 $0xC700;
	(pc) =	sbr.rel .LBB2_4-.Ltmp3, $4  }
0xad: {  	[tilespmem:s22], [sflag:$0x6] =	stream.indirect.gather [hbm4b:s0+s31], $0x10, s21, s31, $0xb8;
	[tilespmem:$0x10700] =	vst v63  }
0xae: {  	s1 =	simm.s32 $0x5300;
	s5 =	simm.s32 $0x0;
	s21 =	simm.s32 $0x0  }
0xaf: {  	[tilespmem:s25], [sflag:$0x7] =	stream.indirect.gather [hbm4b:s0+s31], $0x10, s23, s31, $0xb8;
	[tilespmem:$0x10700] =	vst v63  }
0xb0: {  	s22 =	simm.s32 $0x6;
	s25 =	simm.s32 $0x7780;
	s23 =	simm.s32 $0xCF00  }
.LBB2_8:
0xb1: {  	s8 =	smul.u32 $0xFFFE8000, s8;
	_ =	sdelay $0x1  }
0xb2: {  	s9 =	sadd.s32 $0x8, s9;
	s8 =	sshra.s32 s8, $0x2  }
0xb3: {  	s7 =	sadd.s32 s7, s9;
	s8 =	sadd.s32 s8, s23  }
0xb4: {  	[tilespmem:s8], [sflag:s7] =	stream.indirect.gather [hbm4b:s0+s31], $0x10, s1, s31, $0xb8;
	[tilespmem:$0x10700] =	vst v63  }
.LBB2_9:
0xb5: {  	s21 =	sadd.s32 $0x4, s21  }
0xb6: {  	p1 =	sne.s32 s24, s21  }
.Ltmp4:
0xb7: {  	_ = 	snop;
	(pc) =	sbr.rel @!p1 .LBB2_10-.Ltmp4, $3  }
0xb8: {  	_ =	sdelay $0x1  }
0xb9: {  	s5 =	sadd.s32 $0x1, s5;
	s25 =	sadd.s32 $0x80, s25;
	s22 =	sadd.s32 $0x1, s22  }
0xba: {  	s23 =	sadd.s32 $0x800, s23;
	s1 =	sadd.s32 $0x80, s1;
	s20 =	sadd.s32 $0x800, s20  }
.LBB2_4:
0xbb: {  	s7 =	smulhi.u32 $0xAAAAAAAB, s5;
	_ =	sdelay $0x1  }
0xbc: {  	s8 =	sshrl.u32 s7, $0x3  }
0xbd: {  	s7 =	smul.u32 $0xFFFFFFD0, s8;
	_ =	sdelay $0x1  }
0xbe: {  	s10 =	smulhi.u32 $0xAAAAAAAB, s22;
	s9 =	sshra.s32 s7, $0x2;
	s7 =	sshra.s32 s21, $0x2  }
0xbf: {  	s11 =	smul.u32 $0xFFFE8000, s8;
	s9 =	sadd.s32 s7, s9  }
0xc0: {  	p1 =	sgt.u32 s5, $0x5;
	s13 =	sadd.s32 $0x2, s9  }
0xc1: {  	s8 =	sshrl.u32 s10, $0x3;
	s11 =	sshra.s32 s11, $0x2;
	_ =	swait.ge [sflag:s13], $0x800  }
.Ltmp5:
0xc2: {  	s10 =	sadd.s32 s11, s20;
	[sflag:s13] =	ssyncset.done $0x0;
	(pc) =	sbr.rel @!p1 .LBB2_5-.Ltmp5, $4  }
0xc3: {  	s9 =	sadd.s32 $0xE, s9;
	[sflag:s13] =	ssyncadd.s32 $0xFFFFF800;
	s13 =	smul.u32 $0xFFFFFFD0, s8  }
0xc4: {  	[spmem:s3] =	stream.indirect.scatter.add.f32 [tilespmem:s10], [sflag:s9], $0x10, s25, s31, $0xb8;
	[tilespmem:$0x10700] =	vst v63  }
0xc5: {  	s10 =	sadd.s32 $0x6, s5;
	s9 =	sshra.s32 s13, $0x2  }
0xc6: {  	[spmem:s4] =	stream.indirect.scatter.add.f32 [tilespmem:s2], [sflag:$0x1A], $0x10, s25, s31, $0xb8;
	[tilespmem:$0x10700] =	vst v63  }
0xc7: {  	p1 =	sge.u32 s10, s6  }
.Ltmp6:
0xc8: {  	_ = 	snop;
	(pc) =	sbr.rel @p1 .LBB2_9-.Ltmp6, $4  }
0xc9: {  	_ = 	snop  }
0xca: {  	_ =	swait.ge [sflag:s26], $0x800  }
0xcb: {  	[sflag:s26] =	ssyncset.done $0x0  }
0xcc: {  	[sflag:s26] =	ssyncadd.s32 $0xFFFFF800  }
.Ltmp7:
0xcd: {  	s10 =	sadd.s32 $0x14, s9;
	(pc) =	sbr.rel .LBB2_8-.Ltmp7, $4  }
0xce: {  	s10 =	sadd.s32 s7, s10  }
0xcf: {  	_ =	swait.ge [sflag:s10], $0x800  }
0xd0: {  	[sflag:s10] =	ssyncset.done $0x0  }
0xd1: {  	[sflag:s10] =	ssyncadd.s32 $0xFFFFF800  }
.LBB2_5:
0xd2: {  	p1 =	slt.u32 s10, s6  }
.Ltmp8:
0xd3: {  	_ = 	snop;
	(pc) =	sbr.rel @p1 .LBB2_8-.Ltmp8, $4  }
.Ltmp9:
0xd4: {  	_ = 	snop;
	(pc) =	sbr.rel @!p1 .LBB2_9-.Ltmp9, $4  }
0xd5: {  	_ = 	snop  }
0xd6: {  	_ = 	snop  }
0xd7: {  	_ = 	snop  }
0xd8: {  	_ = 	snop  }
.LBB2_11:
0xd9: {  	_ =	sfence.sel $0x180000  }
0xda: {  	[bflag:$0x0] =	sbarrier.arrive $0xFFFF  }
0xdb: {  	_ =	strace $0x90000047  }
0xdc: {  	s0 =	stileid.u32;
	[bflag:$0x2] =	sbarrier.arrive $0xFFFF  }
0xdd: {  	p0 =	sne.s32 s0, $0x0;
	s0 =	rddreg [dreg:$0x4]  }
0xde: {  	s0 =	sadd.s32 @!p0 $0x100000, s0  }
0xdf: {  	[sflag:s0] =	ssyncadd.tile.s32 @!p0 $0x1;
	_ =	shalt  }
.Lfunc_end2:
_tile_overlayer_lowered:
.L_overlay_start_2:
0xe0: {  	(tag) =	ssettag $0x2  }
0xe1: {  	s0 =	rddreg [dreg:$0x0];
	s2 =	stileid.u32  }
0xe2: {  	s1 =	rddreg [dreg:$0x1];
	p0 =	sne.s32 s2, $0x0  }
0xe3: {  	s3 =	rddreg [dreg:$0x2];
	[bflag:$0x3] =	sbarrier.arrive $0xFFFF;
	s2 =	simm.s32 @!p0 $0x1C1B  }
0xe4: {  	[timem:s3], [sflag:s2] =	dma.local @!p0 [hbm:s0], s1  }
0xe5: {  	s0 =	simm.s32 @!p0 $0x1B  }
0xe6: {  	_ =	swait.ge @!p0 [sflag:s0], s1  }
0xe7: {  	s1 =	ssub.s32 @!p0 $0x0, s1;
	[sflag:s0] =	ssyncset.done @!p0 $0x0  }
0xe8: {  	[sflag:s0] =	ssyncadd.s32 @!p0 s1  }
0xe9: {  	[bflag:$0x3] =	sbarrier.arrive $0xFFFF  }
0xea: {  	_ =	shalt  }

</sc_bundles>
